<compile_context>
chip_gen: v7x
topology: tpu7x:2x2x1
jax: 0.10.2.dev20260603
libtpu: 0.0.44.dev20260713+nightly
codegen_flags: <defaults>
</compile_context>

<pallas_src>
import math

import jax
import jax.numpy as jnp
from jax import lax
from jax.experimental import pallas as pl
from jax.experimental.pallas import tpu as pltpu
from jax.experimental.pallas import tpu_sc as plsc

_B, _L, _D = 32, 256, 512
_AV, _BV, _CV = 128, 32, 4
_PE, _NH = 16, 16
_INV_SQRT_2PI = 1.0 / math.sqrt(2.0 * math.pi)


def _pair_kernel(ac_ref, ar_ref, xc_ref, xr_ref, yc_ref, yr_ref,
                 zc_ref, zr_ref, bonds_ref, wv_ref, bvv_ref, bembt_ref,
                 linw_vm_ref, means_ref, stds_ref, linb_ref,
                 pair_ref, g_ref):
    f32 = jnp.float32
    ac = ac_ref[0]
    ar = ar_ref[0]
    iota_v = lax.broadcasted_iota(jnp.int32, (_L, _AV), 1)
    a_oh = (ac == iota_v).astype(f32)

    aw = jnp.dot(a_oh, wv_ref[...], preferred_element_type=f32)
    ab = jnp.dot(a_oh, bvv_ref[...], preferred_element_type=f32)

    dx = xc_ref[0] - xr_ref[0]
    dy = yc_ref[0] - yr_ref[0]
    dz = zc_ref[0] - zr_ref[0]
    dist = jnp.sqrt(dx * dx + dy * dy + dz * dz + 1e-12)

    nt = (((1,), (1,)), ((), ()))
    a_oh16 = a_oh.astype(jnp.bfloat16)
    for c in range(_PE):
        x = jnp.concatenate([aw[:, c * _AV:(c + 1) * _AV],
                             ab[:, c * _AV:(c + 1) * _AV]], axis=0)
        y = lax.dot_general(a_oh16, x.astype(jnp.bfloat16), nt,
                            preferred_element_type=f32)
        swc = y[:, :_L]
        sbc = y[:, _L:]
        s = jnp.abs(stds_ref[c]) + 1e-5
        inv_s = 1.0 / s
        t = (swc * dist + sbc - means_ref[c]) * inv_s
        g_ref[c] = jnp.exp(-0.5 * t * t) * (_INV_SQRT_2PI * inv_s)

    bb = bonds_ref[0]
    neg_inf = jnp.float32(-jnp.inf)
    maskj = ar == 0
    heads = lax.dot_general(linw_vm_ref[...], g_ref[...],
                            (((1,), (0,)), ((), ())),
                            preferred_element_type=f32)
    for h in range(_NH):
        acc = heads[h] + linb_ref[h]
        lut = jnp.broadcast_to(bembt_ref[h:h + 1, :], (_L, _BV))
        acc = acc + jnp.take_along_axis(
            lut, bb, axis=1, mode=lax.GatherScatterMode.PROMISE_IN_BOUNDS)
        pair_ref[0, h] = jnp.where(maskj, neg_inf, acc)


def _emb_sc_kernel(table_ref, a_ref, c_ref, out_ref, a_v, c_v, idx_v,
                   rows_v, sem):
    nc = 2
    wid = lax.axis_index("s") * nc + lax.axis_index("c")
    base = wid * _ROWS_PER_W
    for chunk in range(_ROWS_PER_W // _CHUNK):
        off = base + chunk * _CHUNK
        pltpu.sync_copy(a_ref.at[pl.ds(off, _CHUNK)], a_v)
        pltpu.sync_copy(c_ref.at[pl.ds(off, _CHUNK)], c_v)
        for i in range(_CHUNK // 16):
            s = pl.ds(i * 16, 16)
            idx_v[s] = a_v[s] * _CV + c_v[s]
        pltpu.async_copy(table_ref.at[idx_v], rows_v, sem).wait()
        pltpu.sync_copy(rows_v, out_ref.at[pl.ds(off, _CHUNK)])


_ROWS_PER_W = (_B * _L) // 32
_CHUNK = 128


def _emb_lookup_sc(table, atoms_lb, chirals_lb):
    mesh = plsc.VectorSubcoreMesh(core_axis_name="c", subcore_axis_name="s")
    return pl.kernel(
        _emb_sc_kernel,
        mesh=mesh,
        out_type=jax.ShapeDtypeStruct((_B * _L, _D), jnp.float32),
        scratch_types=[
            pltpu.VMEM((_CHUNK,), jnp.int32),
            pltpu.VMEM((_CHUNK,), jnp.int32),
            pltpu.VMEM((_CHUNK,), jnp.int32),
            pltpu.VMEM((_CHUNK, _D), jnp.float32),
            pltpu.SemaphoreType.DMA,
        ],
    )(table, atoms_lb, chirals_lb)


def kernel(atoms, chirals, coordinates, bonds, atype_emb, chiral_emb,
           apair_w, apair_b, means, stds, bond_emb, lin_W, lin_b):
    f32 = jnp.float32
    atoms = atoms.astype(jnp.int32)
    chirals = chirals.astype(jnp.int32)
    atoms_col = atoms.reshape(_B, _L, 1)
    atoms_row = atoms.reshape(_B, 1, _L)
    xc = coordinates[:, :, 0].reshape(_B, _L, 1)
    xr = coordinates[:, :, 0].reshape(_B, 1, _L)
    yc = coordinates[:, :, 1].reshape(_B, _L, 1)
    yr = coordinates[:, :, 1].reshape(_B, 1, _L)
    zc = coordinates[:, :, 2].reshape(_B, _L, 1)
    zr = coordinates[:, :, 2].reshape(_B, 1, _L)
    bonds = bonds.astype(jnp.int32)
    wv = apair_w.reshape(_AV, _AV, _PE).transpose(0, 2, 1).reshape(_AV, _PE * _AV)
    bv = apair_b.reshape(_AV, _AV, _PE).transpose(0, 2, 1).reshape(_AV, _PE * _AV)

    smem = pl.BlockSpec(memory_space=pltpu.SMEM)
    pair_out = pl.pallas_call(
        _pair_kernel,
        grid=(_B,),
        in_specs=[
            pl.BlockSpec((1, _L, 1), lambda b: (b, 0, 0)),
            pl.BlockSpec((1, 1, _L), lambda b: (b, 0, 0)),
            pl.BlockSpec((1, _L, 1), lambda b: (b, 0, 0)),
            pl.BlockSpec((1, 1, _L), lambda b: (b, 0, 0)),
            pl.BlockSpec((1, _L, 1), lambda b: (b, 0, 0)),
            pl.BlockSpec((1, 1, _L), lambda b: (b, 0, 0)),
            pl.BlockSpec((1, _L, 1), lambda b: (b, 0, 0)),
            pl.BlockSpec((1, 1, _L), lambda b: (b, 0, 0)),
            pl.BlockSpec((1, _L, _L), lambda b: (b, 0, 0)),
            pl.BlockSpec((_AV, _PE * _AV), lambda b: (0, 0)),
            pl.BlockSpec((_AV, _PE * _AV), lambda b: (0, 0)),
            pl.BlockSpec((_NH, _BV), lambda b: (0, 0)),
            pl.BlockSpec((_NH, _PE), lambda b: (0, 0)),
            smem,
            smem,
            smem,
        ],
        out_specs=pl.BlockSpec((1, _NH, _L, _L), lambda b: (b, 0, 0, 0)),
        out_shape=jax.ShapeDtypeStruct((_B, _NH, _L, _L), f32),
        scratch_shapes=[
            pltpu.VMEM((_PE, _L, _L), f32),
        ],
        compiler_params=pltpu.CompilerParams(dimension_semantics=("parallel",)),
    )(atoms_col, atoms_row, xc, xr, yc, yr, zc, zr, bonds, wv, bv,
      bond_emb.T, lin_W, means, stds, lin_b)

    table = (atype_emb[:, None, :] + chiral_emb[None, :, :]).reshape(
        _AV * _CV, _D)
    atoms_lb = atoms.T.reshape(_B * _L)
    chirals_lb = chirals.T.reshape(_B * _L)
    emb_rows = _emb_lookup_sc(table, atoms_lb, chirals_lb)
    atoms_emb = emb_rows.reshape(_L, _B, _D)
    return atoms_emb, pair_out

# --- scband reference (transcript-rebuilt; emitter-appended) ---
"""Pipeline reference for scband-unimol-embedding-91053306675334 (READ-ONLY COPY).

The authoritative reference and input builder live on the scoring server;
editing this copy changes nothing except your own understanding.
"""

import math
import jax, jax.numpy as jnp
import numpy as np

NHEAD = 16
D_MODEL = 512
ATOM_VOC = 128
BOND_VOC = 32
CHIRAL_VOC = 4
APAIR_EMB = 16
B, L = 32, 256


def setup_inputs(seed: int = 0) -> dict:
    key = jax.random.key(seed)
    ks = jax.random.split(key, 12)
    atoms = jax.random.randint(ks[0], (B, L), 0, ATOM_VOC)
    chirals = jax.random.randint(ks[1], (B, L), 0, CHIRAL_VOC)
    coordinates = jax.random.normal(ks[2], (B, L, 3), dtype=jnp.float32)
    bonds = jax.random.randint(ks[3], (B, L, L), 0, BOND_VOC)
    atype_emb = 0.02 * jax.random.normal(ks[4], (ATOM_VOC, D_MODEL), dtype=jnp.float32)
    atype_emb = atype_emb.at[0].set(0.0)  # padding_idx
    chiral_emb = 0.02 * jax.random.normal(ks[5], (CHIRAL_VOC, D_MODEL), dtype=jnp.float32)
    chiral_emb = chiral_emb.at[0].set(0.0)
    apair_w = 0.02 * jax.random.normal(ks[6], (ATOM_VOC * ATOM_VOC, APAIR_EMB), dtype=jnp.float32)
    apair_b = 0.02 * jax.random.normal(ks[7], (ATOM_VOC * ATOM_VOC, APAIR_EMB), dtype=jnp.float32)
    means = jnp.zeros((APAIR_EMB,), dtype=jnp.float32)
    stds = jnp.ones((APAIR_EMB,), dtype=jnp.float32)
    bond_emb = 0.02 * jax.random.normal(ks[8], (BOND_VOC, NHEAD), dtype=jnp.float32)
    bond_emb = bond_emb.at[0].set(0.0)
    lin_W = 0.02 * jax.random.normal(ks[9], (NHEAD, APAIR_EMB), dtype=jnp.float32)
    lin_b = jnp.zeros((NHEAD,), dtype=jnp.float32)
    return {"atoms": atoms, "chirals": chirals, "coordinates": coordinates, "bonds": bonds,
            "atype_emb": atype_emb, "chiral_emb": chiral_emb, "apair_w": apair_w, "apair_b": apair_b,
            "means": means, "stds": stds, "bond_emb": bond_emb, "lin_W": lin_W, "lin_b": lin_b}


def reference(atoms, chirals, coordinates, bonds, atype_emb, chiral_emb, apair_w, apair_b, means, stds, bond_emb, lin_W, lin_b):
    atom_voc = atype_emb.shape[0]
    atoms_emb = jnp.take(atype_emb, atoms, axis=0) + jnp.take(chiral_emb, chirals, axis=0)
    atoms_emb = jnp.transpose(atoms_emb, (1, 0, 2))  # [L, B, d_model]
    diff = coordinates[:, None, :, :] - coordinates[:, :, None, :]
    distances = jnp.sqrt((diff ** 2).sum(axis=-1) + 1e-12)  # [B, L, L]; eps avoids NaN grad on diagonal
    apair_idx = atoms[:, None, :] * atom_voc + atoms[:, :, None]  # [B, L, L]
    aw = jnp.take(apair_w, apair_idx, axis=0)  # [B, L, L, apo]
    ab = jnp.take(apair_b, apair_idx, axis=0)
    apairs = aw * distances[..., None] + ab
    bonds_e = jnp.take(bond_emb, bonds, axis=0)  # [B, L, L, nhead]
    s = jnp.abs(stds) + 1e-05
    apairs = jnp.exp(-0.5 * ((apairs - means) / s) ** 2) / (math.sqrt(2.0 * math.pi) * s)
    apairs = apairs @ lin_W.T + lin_b + bonds_e  # [B, L, L, nhead]
    padding_mask = (atoms == 0)  # atom_pad_token = 0
    apairs = jnp.where(padding_mask[:, None, :, None], -jnp.inf, apairs)
    apairs = jnp.transpose(apairs, (0, 3, 1, 2))  # [B, nhead, L, L]
    return atoms_emb, apairs


if False:  # reference __main__ guard neutralized (emitter)
    inp = setup_inputs()
    out = reference(**inp)
    print(out[0].shape, out[1].shape)

if __name__ == "__main__":
    import jax
    _d = setup_inputs()
    print(jax.jit(kernel)(*tuple(_d.values())))

</pallas_src>

<mosaic_0001>
#map = affine_map<(d0, d1) -> (0, 0)>
#map1 = affine_map<(d0, d1) -> (0)>
module attributes {stable_mosaic.version = 14 : i64} {
  func.func @_emb_sc_kernel(%arg0: i32, %arg1: i32, %arg2: memref<512x512xf32, #tpu.memory_space<hbm>>, %arg3: memref<8192xi32, #tpu.memory_space<hbm>>, %arg4: memref<8192xi32, #tpu.memory_space<hbm>>, %arg5: memref<8192x512xf32, #tpu.memory_space<hbm>>, %arg6: memref<128xi32, #tpu.memory_space<vmem>>, %arg7: memref<128xi32, #tpu.memory_space<vmem>>, %arg8: memref<128xi32, #tpu.memory_space<vmem>>, %arg9: memref<128x512xf32, #tpu.memory_space<vmem>>, %arg10: memref<!tpu.dma_semaphore, #tpu.memory_space<semaphore_mem>>) attributes {dimension_semantics = [#tpu.dimension_semantics<core_parallel>, #tpu.dimension_semantics<subcore_parallel>], iteration_bounds = array<i64: 2, 16>, scalar_prefetch = 0 : i64, scratch_operands = 5 : i64, tpu.core_type = #tpu.core_type<sc_vector_subcore>, window_params = [{transform_indices = #map}, {transform_indices = #map1}, {transform_indices = #map1}, {transform_indices = #map}]} {
    %mul3A = arith.constant 2 : i32
    %mul3A_0 = arith.muli %arg1, %mul3A : i32
    %add3A = arith.addi %mul3A_0, %arg0 : i32
    %mul3A_1 = arith.constant 256 : i32
    %mul3A_2 = arith.muli %add3A, %mul3A_1 : i32
    %add3A_3 = arith.constant 0 : i32
    %add3A_4 = arith.addi %mul3A_2, %add3A_3 : i32
    "tpu.region"() ({
      %run_scoped3A = tpu.sem_alloc : memref<!tpu.dma_semaphore, #tpu.memory_space<semaphore_mem>>
      %dma_start3A_239 = tpu.memref_slice %arg3[%add3A_4] : memref<8192xi32, #tpu.memory_space<hbm>> -> memref<128xi32, #tpu.memory_space<hbm>>
      %dma_start3A_240 = tpu.memref_slice %arg3[%add3A_4] : memref<8192xi32, #tpu.memory_space<hbm>> -> memref<128xi32, #tpu.memory_space<hbm>>
      tpu.enqueue_dma source(%dma_start3A_240 : memref<128xi32, #tpu.memory_space<hbm>>) target(%arg6 : memref<128xi32, #tpu.memory_space<vmem>>) target_semaphore(%run_scoped3A : memref<!tpu.dma_semaphore, #tpu.memory_space<semaphore_mem>>)
      %dma_wait3A_241 = tpu.memref_slice %arg3[%add3A_4] : memref<8192xi32, #tpu.memory_space<hbm>> -> memref<128xi32, #tpu.memory_space<hbm>>
      %dma_wait3A_242 = tpu.memref_slice %arg3[%add3A_4] : memref<8192xi32, #tpu.memory_space<hbm>> -> memref<128xi32, #tpu.memory_space<hbm>>
      tpu.wait_dma2 semaphore(%run_scoped3A : memref<!tpu.dma_semaphore, #tpu.memory_space<semaphore_mem>>) src(%dma_wait3A_242 : memref<128xi32, #tpu.memory_space<hbm>>) dst(%arg6 : memref<128xi32, #tpu.memory_space<vmem>>)
      tpu.yield
    }) : () -> ()
    "tpu.region"() ({
      %run_scoped3A = tpu.sem_alloc : memref<!tpu.dma_semaphore, #tpu.memory_space<semaphore_mem>>
      %dma_start3A_239 = tpu.memref_slice %arg4[%add3A_4] : memref<8192xi32, #tpu.memory_space<hbm>> -> memref<128xi32, #tpu.memory_space<hbm>>
      %dma_start3A_240 = tpu.memref_slice %arg4[%add3A_4] : memref<8192xi32, #tpu.memory_space<hbm>> -> memref<128xi32, #tpu.memory_space<hbm>>
      tpu.enqueue_dma source(%dma_start3A_240 : memref<128xi32, #tpu.memory_space<hbm>>) target(%arg7 : memref<128xi32, #tpu.memory_space<vmem>>) target_semaphore(%run_scoped3A : memref<!tpu.dma_semaphore, #tpu.memory_space<semaphore_mem>>)
      %dma_wait3A_241 = tpu.memref_slice %arg4[%add3A_4] : memref<8192xi32, #tpu.memory_space<hbm>> -> memref<128xi32, #tpu.memory_space<hbm>>
      %dma_wait3A_242 = tpu.memref_slice %arg4[%add3A_4] : memref<8192xi32, #tpu.memory_space<hbm>> -> memref<128xi32, #tpu.memory_space<hbm>>
      tpu.wait_dma2 semaphore(%run_scoped3A : memref<!tpu.dma_semaphore, #tpu.memory_space<semaphore_mem>>) src(%dma_wait3A_242 : memref<128xi32, #tpu.memory_space<hbm>>) dst(%arg7 : memref<128xi32, #tpu.memory_space<vmem>>)
      tpu.yield
    }) : () -> ()
    %get3A = arith.constant 0 : index
    %get3A_5 = tpu.vector_load %arg6[%get3A] {strides = array<i32>} : memref<128xi32, #tpu.memory_space<vmem>>, vector<16xi32>,
    %get3A_6 = vector.shape_cast %get3A_5 : vector<16xi32> to vector<16xi32>
    %mul3A_7 = arith.constant 4 : i32
    %mul3A_8 = vector.broadcast %mul3A_7 : i32 to vector<16xi32>
    %mul3A_9 = arith.muli %get3A_6, %mul3A_8 : vector<16xi32>
    %get3A_10 = arith.constant 0 : index
    %get3A_11 = tpu.vector_load %arg7[%get3A_10] {strides = array<i32>} : memref<128xi32, #tpu.memory_space<vmem>>, vector<16xi32>,
    %get3A_12 = vector.shape_cast %get3A_11 : vector<16xi32> to vector<16xi32>
    %add3A_13 = arith.addi %mul3A_9, %get3A_12 : vector<16xi32>
    %swap3A = arith.constant 0 : index
    %swap3A_14 = tpu.vector_load %arg8[%swap3A] {strides = array<i32>} : memref<128xi32, #tpu.memory_space<vmem>>, vector<16xi32>,
    %swap3A_15 = vector.shape_cast %swap3A_14 : vector<16xi32> to vector<16xi32>
    %swap3A_16 = vector.shape_cast %add3A_13 : vector<16xi32> to vector<16xi32>
    tpu.vector_store %arg8[%swap3A], %swap3A_16 {strides = array<i32>} : memref<128xi32, #tpu.memory_space<vmem>>, vector<16xi32>,
    %get3A_17 = arith.constant 16 : index
    %get3A_18 = tpu.vector_load %arg6[%get3A_17] {strides = array<i32>} : memref<128xi32, #tpu.memory_space<vmem>>, vector<16xi32>,
    %get3A_19 = vector.shape_cast %get3A_18 : vector<16xi32> to vector<16xi32>
    %mul3A_20 = arith.constant 4 : i32
    %mul3A_21 = vector.broadcast %mul3A_20 : i32 to vector<16xi32>
    %mul3A_22 = arith.muli %get3A_19, %mul3A_21 : vector<16xi32>
    %get3A_23 = arith.constant 16 : index
    %get3A_24 = tpu.vector_load %arg7[%get3A_23] {strides = array<i32>} : memref<128xi32, #tpu.memory_space<vmem>>, vector<16xi32>,
    %get3A_25 = vector.shape_cast %get3A_24 : vector<16xi32> to vector<16xi32>
    %add3A_26 = arith.addi %mul3A_22, %get3A_25 : vector<16xi32>
    %swap3A_27 = arith.constant 16 : index
    %swap3A_28 = tpu.vector_load %arg8[%swap3A_27] {strides = array<i32>} : memref<128xi32, #tpu.memory_space<vmem>>, vector<16xi32>,
    %swap3A_29 = vector.shape_cast %swap3A_28 : vector<16xi32> to vector<16xi32>
    %swap3A_30 = vector.shape_cast %add3A_26 : vector<16xi32> to vector<16xi32>
    tpu.vector_store %arg8[%swap3A_27], %swap3A_30 {strides = array<i32>} : memref<128xi32, #tpu.memory_space<vmem>>, vector<16xi32>,
    %get3A_31 = arith.constant 32 : index
    %get3A_32 = tpu.vector_load %arg6[%get3A_31] {strides = array<i32>} : memref<128xi32, #tpu.memory_space<vmem>>, vector<16xi32>,
    %get3A_33 = vector.shape_cast %get3A_32 : vector<16xi32> to vector<16xi32>
    %mul3A_34 = arith.constant 4 : i32
    %mul3A_35 = vector.broadcast %mul3A_34 : i32 to vector<16xi32>
    %mul3A_36 = arith.muli %get3A_33, %mul3A_35 : vector<16xi32>
    %get3A_37 = arith.constant 32 : index
    %get3A_38 = tpu.vector_load %arg7[%get3A_37] {strides = array<i32>} : memref<128xi32, #tpu.memory_space<vmem>>, vector<16xi32>,
    %get3A_39 = vector.shape_cast %get3A_38 : vector<16xi32> to vector<16xi32>
    %add3A_40 = arith.addi %mul3A_36, %get3A_39 : vector<16xi32>
    %swap3A_41 = arith.constant 32 : index
    %swap3A_42 = tpu.vector_load %arg8[%swap3A_41] {strides = array<i32>} : memref<128xi32, #tpu.memory_space<vmem>>, vector<16xi32>,
    %swap3A_43 = vector.shape_cast %swap3A_42 : vector<16xi32> to vector<16xi32>
    %swap3A_44 = vector.shape_cast %add3A_40 : vector<16xi32> to vector<16xi32>
    tpu.vector_store %arg8[%swap3A_41], %swap3A_44 {strides = array<i32>} : memref<128xi32, #tpu.memory_space<vmem>>, vector<16xi32>,
    %get3A_45 = arith.constant 48 : index
    %get3A_46 = tpu.vector_load %arg6[%get3A_45] {strides = array<i32>} : memref<128xi32, #tpu.memory_space<vmem>>, vector<16xi32>,
    %get3A_47 = vector.shape_cast %get3A_46 : vector<16xi32> to vector<16xi32>
    %mul3A_48 = arith.constant 4 : i32
    %mul3A_49 = vector.broadcast %mul3A_48 : i32 to vector<16xi32>
    %mul3A_50 = arith.muli %get3A_47, %mul3A_49 : vector<16xi32>
    %get3A_51 = arith.constant 48 : index
    %get3A_52 = tpu.vector_load %arg7[%get3A_51] {strides = array<i32>} : memref<128xi32, #tpu.memory_space<vmem>>, vector<16xi32>,
    %get3A_53 = vector.shape_cast %get3A_52 : vector<16xi32> to vector<16xi32>
    %add3A_54 = arith.addi %mul3A_50, %get3A_53 : vector<16xi32>
    %swap3A_55 = arith.constant 48 : index
    %swap3A_56 = tpu.vector_load %arg8[%swap3A_55] {strides = array<i32>} : memref<128xi32, #tpu.memory_space<vmem>>, vector<16xi32>,
    %swap3A_57 = vector.shape_cast %swap3A_56 : vector<16xi32> to vector<16xi32>
    %swap3A_58 = vector.shape_cast %add3A_54 : vector<16xi32> to vector<16xi32>
    tpu.vector_store %arg8[%swap3A_55], %swap3A_58 {strides = array<i32>} : memref<128xi32, #tpu.memory_space<vmem>>, vector<16xi32>,
    %get3A_59 = arith.constant 64 : index
    %get3A_60 = tpu.vector_load %arg6[%get3A_59] {strides = array<i32>} : memref<128xi32, #tpu.memory_space<vmem>>, vector<16xi32>,
    %get3A_61 = vector.shape_cast %get3A_60 : vector<16xi32> to vector<16xi32>
    %mul3A_62 = arith.constant 4 : i32
    %mul3A_63 = vector.broadcast %mul3A_62 : i32 to vector<16xi32>
    %mul3A_64 = arith.muli %get3A_61, %mul3A_63 : vector<16xi32>
    %get3A_65 = arith.constant 64 : index
    %get3A_66 = tpu.vector_load %arg7[%get3A_65] {strides = array<i32>} : memref<128xi32, #tpu.memory_space<vmem>>, vector<16xi32>,
    %get3A_67 = vector.shape_cast %get3A_66 : vector<16xi32> to vector<16xi32>
    %add3A_68 = arith.addi %mul3A_64, %get3A_67 : vector<16xi32>
    %swap3A_69 = arith.constant 64 : index
    %swap3A_70 = tpu.vector_load %arg8[%swap3A_69] {strides = array<i32>} : memref<128xi32, #tpu.memory_space<vmem>>, vector<16xi32>,
    %swap3A_71 = vector.shape_cast %swap3A_70 : vector<16xi32> to vector<16xi32>
    %swap3A_72 = vector.shape_cast %add3A_68 : vector<16xi32> to vector<16xi32>
    tpu.vector_store %arg8[%swap3A_69], %swap3A_72 {strides = array<i32>} : memref<128xi32, #tpu.memory_space<vmem>>, vector<16xi32>,
    %get3A_73 = arith.constant 80 : index
    %get3A_74 = tpu.vector_load %arg6[%get3A_73] {strides = array<i32>} : memref<128xi32, #tpu.memory_space<vmem>>, vector<16xi32>,
    %get3A_75 = vector.shape_cast %get3A_74 : vector<16xi32> to vector<16xi32>
    %mul3A_76 = arith.constant 4 : i32
    %mul3A_77 = vector.broadcast %mul3A_76 : i32 to vector<16xi32>
    %mul3A_78 = arith.muli %get3A_75, %mul3A_77 : vector<16xi32>
    %get3A_79 = arith.constant 80 : index
    %get3A_80 = tpu.vector_load %arg7[%get3A_79] {strides = array<i32>} : memref<128xi32, #tpu.memory_space<vmem>>, vector<16xi32>,
    %get3A_81 = vector.shape_cast %get3A_80 : vector<16xi32> to vector<16xi32>
    %add3A_82 = arith.addi %mul3A_78, %get3A_81 : vector<16xi32>
    %swap3A_83 = arith.constant 80 : index
    %swap3A_84 = tpu.vector_load %arg8[%swap3A_83] {strides = array<i32>} : memref<128xi32, #tpu.memory_space<vmem>>, vector<16xi32>,
    %swap3A_85 = vector.shape_cast %swap3A_84 : vector<16xi32> to vector<16xi32>
    %swap3A_86 = vector.shape_cast %add3A_82 : vector<16xi32> to vector<16xi32>
    tpu.vector_store %arg8[%swap3A_83], %swap3A_86 {strides = array<i32>} : memref<128xi32, #tpu.memory_space<vmem>>, vector<16xi32>,
    %get3A_87 = arith.constant 96 : index
    %get3A_88 = tpu.vector_load %arg6[%get3A_87] {strides = array<i32>} : memref<128xi32, #tpu.memory_space<vmem>>, vector<16xi32>,
    %get3A_89 = vector.shape_cast %get3A_88 : vector<16xi32> to vector<16xi32>
    %mul3A_90 = arith.constant 4 : i32
    %mul3A_91 = vector.broadcast %mul3A_90 : i32 to vector<16xi32>
    %mul3A_92 = arith.muli %get3A_89, %mul3A_91 : vector<16xi32>
    %get3A_93 = arith.constant 96 : index
    %get3A_94 = tpu.vector_load %arg7[%get3A_93] {strides = array<i32>} : memref<128xi32, #tpu.memory_space<vmem>>, vector<16xi32>,
    %get3A_95 = vector.shape_cast %get3A_94 : vector<16xi32> to vector<16xi32>
    %add3A_96 = arith.addi %mul3A_92, %get3A_95 : vector<16xi32>
    %swap3A_97 = arith.constant 96 : index
    %swap3A_98 = tpu.vector_load %arg8[%swap3A_97] {strides = array<i32>} : memref<128xi32, #tpu.memory_space<vmem>>, vector<16xi32>,
    %swap3A_99 = vector.shape_cast %swap3A_98 : vector<16xi32> to vector<16xi32>
    %swap3A_100 = vector.shape_cast %add3A_96 : vector<16xi32> to vector<16xi32>
    tpu.vector_store %arg8[%swap3A_97], %swap3A_100 {strides = array<i32>} : memref<128xi32, #tpu.memory_space<vmem>>, vector<16xi32>,
    %get3A_101 = arith.constant 112 : index
    %get3A_102 = tpu.vector_load %arg6[%get3A_101] {strides = array<i32>} : memref<128xi32, #tpu.memory_space<vmem>>, vector<16xi32>,
    %get3A_103 = vector.shape_cast %get3A_102 : vector<16xi32> to vector<16xi32>
    %mul3A_104 = arith.constant 4 : i32
    %mul3A_105 = vector.broadcast %mul3A_104 : i32 to vector<16xi32>
    %mul3A_106 = arith.muli %get3A_103, %mul3A_105 : vector<16xi32>
    %get3A_107 = arith.constant 112 : index
    %get3A_108 = tpu.vector_load %arg7[%get3A_107] {strides = array<i32>} : memref<128xi32, #tpu.memory_space<vmem>>, vector<16xi32>,
    %get3A_109 = vector.shape_cast %get3A_108 : vector<16xi32> to vector<16xi32>
    %add3A_110 = arith.addi %mul3A_106, %get3A_109 : vector<16xi32>
    %swap3A_111 = arith.constant 112 : index
    %swap3A_112 = tpu.vector_load %arg8[%swap3A_111] {strides = array<i32>} : memref<128xi32, #tpu.memory_space<vmem>>, vector<16xi32>,
    %swap3A_113 = vector.shape_cast %swap3A_112 : vector<16xi32> to vector<16xi32>
    %swap3A_114 = vector.shape_cast %add3A_110 : vector<16xi32> to vector<16xi32>
    tpu.vector_store %arg8[%swap3A_111], %swap3A_114 {strides = array<i32>} : memref<128xi32, #tpu.memory_space<vmem>>, vector<16xi32>,
    %dma_start3A = arith.constant 0 : i32
    %dma_start3A_115 = arith.constant 0 : i32
    %dma_start3A_116 = tpu.memref_slice %arg2[%dma_start3A, %dma_start3A_115] : memref<512x512xf32, #tpu.memory_space<hbm>> -> memref<512x512xf32, #tpu.memory_space<hbm>>
    tpu.enqueue_indirect_dma source(%dma_start3A_116 : memref<512x512xf32, #tpu.memory_space<hbm>>) target(%arg9 : memref<128x512xf32, #tpu.memory_space<vmem>>) offsets(%arg8 : memref<128xi32, #tpu.memory_space<vmem>>) semaphore(%arg10 : memref<!tpu.dma_semaphore, #tpu.memory_space<semaphore_mem>>)
    %dma_wait3A = arith.constant 0 : i32
    %dma_wait3A_117 = arith.constant 0 : i32
    %dma_wait3A_118 = tpu.memref_slice %arg2[%dma_wait3A, %dma_wait3A_117] : memref<512x512xf32, #tpu.memory_space<hbm>> -> memref<512x512xf32, #tpu.memory_space<hbm>>
    tpu.wait_indirect_dma semaphore(%arg10 : memref<!tpu.dma_semaphore, #tpu.memory_space<semaphore_mem>>) src(%dma_wait3A_118 : memref<512x512xf32, #tpu.memory_space<hbm>>) dst(%arg9 : memref<128x512xf32, #tpu.memory_space<vmem>>)
    "tpu.region"() ({
      %run_scoped3A = tpu.sem_alloc : memref<!tpu.dma_semaphore, #tpu.memory_space<semaphore_mem>>
      %dma_start3A_239 = arith.constant 0 : i32
      %dma_start3A_240 = tpu.memref_slice %arg5[%add3A_4, %dma_start3A_239] : memref<8192x512xf32, #tpu.memory_space<hbm>> -> memref<128x512xf32, #tpu.memory_space<hbm>>
      %dma_start3A_241 = arith.constant 0 : i32
      %dma_start3A_242 = tpu.memref_slice %arg5[%add3A_4, %dma_start3A_241] : memref<8192x512xf32, #tpu.memory_space<hbm>> -> memref<128x512xf32, #tpu.memory_space<hbm>>
      tpu.enqueue_dma source(%arg9 : memref<128x512xf32, #tpu.memory_space<vmem>>) target(%dma_start3A_242 : memref<128x512xf32, #tpu.memory_space<hbm>>) target_semaphore(%run_scoped3A : memref<!tpu.dma_semaphore, #tpu.memory_space<semaphore_mem>>)
      %dma_wait3A_243 = arith.constant 0 : i32
      %dma_wait3A_244 = tpu.memref_slice %arg5[%add3A_4, %dma_wait3A_243] : memref<8192x512xf32, #tpu.memory_space<hbm>> -> memref<128x512xf32, #tpu.memory_space<hbm>>
      %dma_wait3A_245 = arith.constant 0 : i32
      %dma_wait3A_246 = tpu.memref_slice %arg5[%add3A_4, %dma_wait3A_245] : memref<8192x512xf32, #tpu.memory_space<hbm>> -> memref<128x512xf32, #tpu.memory_space<hbm>>
      tpu.wait_dma2 semaphore(%run_scoped3A : memref<!tpu.dma_semaphore, #tpu.memory_space<semaphore_mem>>) src(%arg9 : memref<128x512xf32, #tpu.memory_space<vmem>>) dst(%dma_wait3A_246 : memref<128x512xf32, #tpu.memory_space<hbm>>)
      tpu.yield
    }) : () -> ()
    %add3A_119 = arith.constant 128 : i32
    %add3A_120 = arith.addi %mul3A_2, %add3A_119 : i32
    "tpu.region"() ({
      %run_scoped3A = tpu.sem_alloc : memref<!tpu.dma_semaphore, #tpu.memory_space<semaphore_mem>>
      %dma_start3A_239 = tpu.memref_slice %arg3[%add3A_120] : memref<8192xi32, #tpu.memory_space<hbm>> -> memref<128xi32, #tpu.memory_space<hbm>>
      %dma_start3A_240 = tpu.memref_slice %arg3[%add3A_120] : memref<8192xi32, #tpu.memory_space<hbm>> -> memref<128xi32, #tpu.memory_space<hbm>>
      tpu.enqueue_dma source(%dma_start3A_240 : memref<128xi32, #tpu.memory_space<hbm>>) target(%arg6 : memref<128xi32, #tpu.memory_space<vmem>>) target_semaphore(%run_scoped3A : memref<!tpu.dma_semaphore, #tpu.memory_space<semaphore_mem>>)
      %dma_wait3A_241 = tpu.memref_slice %arg3[%add3A_120] : memref<8192xi32, #tpu.memory_space<hbm>> -> memref<128xi32, #tpu.memory_space<hbm>>
      %dma_wait3A_242 = tpu.memref_slice %arg3[%add3A_120] : memref<8192xi32, #tpu.memory_space<hbm>> -> memref<128xi32, #tpu.memory_space<hbm>>
      tpu.wait_dma2 semaphore(%run_scoped3A : memref<!tpu.dma_semaphore, #tpu.memory_space<semaphore_mem>>) src(%dma_wait3A_242 : memref<128xi32, #tpu.memory_space<hbm>>) dst(%arg6 : memref<128xi32, #tpu.memory_space<vmem>>)
      tpu.yield
    }) : () -> ()
    "tpu.region"() ({
      %run_scoped3A = tpu.sem_alloc : memref<!tpu.dma_semaphore, #tpu.memory_space<semaphore_mem>>
      %dma_start3A_239 = tpu.memref_slice %arg4[%add3A_120] : memref<8192xi32, #tpu.memory_space<hbm>> -> memref<128xi32, #tpu.memory_space<hbm>>
      %dma_start3A_240 = tpu.memref_slice %arg4[%add3A_120] : memref<8192xi32, #tpu.memory_space<hbm>> -> memref<128xi32, #tpu.memory_space<hbm>>
      tpu.enqueue_dma source(%dma_start3A_240 : memref<128xi32, #tpu.memory_space<hbm>>) target(%arg7 : memref<128xi32, #tpu.memory_space<vmem>>) target_semaphore(%run_scoped3A : memref<!tpu.dma_semaphore, #tpu.memory_space<semaphore_mem>>)
      %dma_wait3A_241 = tpu.memref_slice %arg4[%add3A_120] : memref<8192xi32, #tpu.memory_space<hbm>> -> memref<128xi32, #tpu.memory_space<hbm>>
      %dma_wait3A_242 = tpu.memref_slice %arg4[%add3A_120] : memref<8192xi32, #tpu.memory_space<hbm>> -> memref<128xi32, #tpu.memory_space<hbm>>
      tpu.wait_dma2 semaphore(%run_scoped3A : memref<!tpu.dma_semaphore, #tpu.memory_space<semaphore_mem>>) src(%dma_wait3A_242 : memref<128xi32, #tpu.memory_space<hbm>>) dst(%arg7 : memref<128xi32, #tpu.memory_space<vmem>>)
      tpu.yield
    }) : () -> ()
    %get3A_121 = arith.constant 0 : index
    %get3A_122 = tpu.vector_load %arg6[%get3A_121] {strides = array<i32>} : memref<128xi32, #tpu.memory_space<vmem>>, vector<16xi32>,
    %get3A_123 = vector.shape_cast %get3A_122 : vector<16xi32> to vector<16xi32>
    %mul3A_124 = arith.constant 4 : i32
    %mul3A_125 = vector.broadcast %mul3A_124 : i32 to vector<16xi32>
    %mul3A_126 = arith.muli %get3A_123, %mul3A_125 : vector<16xi32>
    %get3A_127 = arith.constant 0 : index
    %get3A_128 = tpu.vector_load %arg7[%get3A_127] {strides = array<i32>} : memref<128xi32, #tpu.memory_space<vmem>>, vector<16xi32>,
    %get3A_129 = vector.shape_cast %get3A_128 : vector<16xi32> to vector<16xi32>
    %add3A_130 = arith.addi %mul3A_126, %get3A_129 : vector<16xi32>
    %swap3A_131 = arith.constant 0 : index
    %swap3A_132 = tpu.vector_load %arg8[%swap3A_131] {strides = array<i32>} : memref<128xi32, #tpu.memory_space<vmem>>, vector<16xi32>,
    %swap3A_133 = vector.shape_cast %swap3A_132 : vector<16xi32> to vector<16xi32>
    %swap3A_134 = vector.shape_cast %add3A_130 : vector<16xi32> to vector<16xi32>
    tpu.vector_store %arg8[%swap3A_131], %swap3A_134 {strides = array<i32>} : memref<128xi32, #tpu.memory_space<vmem>>, vector<16xi32>,
    %get3A_135 = arith.constant 16 : index
    %get3A_136 = tpu.vector_load %arg6[%get3A_135] {strides = array<i32>} : memref<128xi32, #tpu.memory_space<vmem>>, vector<16xi32>,
    %get3A_137 = vector.shape_cast %get3A_136 : vector<16xi32> to vector<16xi32>
    %mul3A_138 = arith.constant 4 : i32
    %mul3A_139 = vector.broadcast %mul3A_138 : i32 to vector<16xi32>
    %mul3A_140 = arith.muli %get3A_137, %mul3A_139 : vector<16xi32>
    %get3A_141 = arith.constant 16 : index
    %get3A_142 = tpu.vector_load %arg7[%get3A_141] {strides = array<i32>} : memref<128xi32, #tpu.memory_space<vmem>>, vector<16xi32>,
    %get3A_143 = vector.shape_cast %get3A_142 : vector<16xi32> to vector<16xi32>
    %add3A_144 = arith.addi %mul3A_140, %get3A_143 : vector<16xi32>
    %swap3A_145 = arith.constant 16 : index
    %swap3A_146 = tpu.vector_load %arg8[%swap3A_145] {strides = array<i32>} : memref<128xi32, #tpu.memory_space<vmem>>, vector<16xi32>,
    %swap3A_147 = vector.shape_cast %swap3A_146 : vector<16xi32> to vector<16xi32>
    %swap3A_148 = vector.shape_cast %add3A_144 : vector<16xi32> to vector<16xi32>
    tpu.vector_store %arg8[%swap3A_145], %swap3A_148 {strides = array<i32>} : memref<128xi32, #tpu.memory_space<vmem>>, vector<16xi32>,
    %get3A_149 = arith.constant 32 : index
    %get3A_150 = tpu.vector_load %arg6[%get3A_149] {strides = array<i32>} : memref<128xi32, #tpu.memory_space<vmem>>, vector<16xi32>,
    %get3A_151 = vector.shape_cast %get3A_150 : vector<16xi32> to vector<16xi32>
    %mul3A_152 = arith.constant 4 : i32
    %mul3A_153 = vector.broadcast %mul3A_152 : i32 to vector<16xi32>
    %mul3A_154 = arith.muli %get3A_151, %mul3A_153 : vector<16xi32>
    %get3A_155 = arith.constant 32 : index
    %get3A_156 = tpu.vector_load %arg7[%get3A_155] {strides = array<i32>} : memref<128xi32, #tpu.memory_space<vmem>>, vector<16xi32>,
    %get3A_157 = vector.shape_cast %get3A_156 : vector<16xi32> to vector<16xi32>
    %add3A_158 = arith.addi %mul3A_154, %get3A_157 : vector<16xi32>
    %swap3A_159 = arith.constant 32 : index
    %swap3A_160 = tpu.vector_load %arg8[%swap3A_159] {strides = array<i32>} : memref<128xi32, #tpu.memory_space<vmem>>, vector<16xi32>,
    %swap3A_161 = vector.shape_cast %swap3A_160 : vector<16xi32> to vector<16xi32>
    %swap3A_162 = vector.shape_cast %add3A_158 : vector<16xi32> to vector<16xi32>
    tpu.vector_store %arg8[%swap3A_159], %swap3A_162 {strides = array<i32>} : memref<128xi32, #tpu.memory_space<vmem>>, vector<16xi32>,
    %get3A_163 = arith.constant 48 : index
    %get3A_164 = tpu.vector_load %arg6[%get3A_163] {strides = array<i32>} : memref<128xi32, #tpu.memory_space<vmem>>, vector<16xi32>,
    %get3A_165 = vector.shape_cast %get3A_164 : vector<16xi32> to vector<16xi32>
    %mul3A_166 = arith.constant 4 : i32
    %mul3A_167 = vector.broadcast %mul3A_166 : i32 to vector<16xi32>
    %mul3A_168 = arith.muli %get3A_165, %mul3A_167 : vector<16xi32>
    %get3A_169 = arith.constant 48 : index
    %get3A_170 = tpu.vector_load %arg7[%get3A_169] {strides = array<i32>} : memref<128xi32, #tpu.memory_space<vmem>>, vector<16xi32>,
    %get3A_171 = vector.shape_cast %get3A_170 : vector<16xi32> to vector<16xi32>
    %add3A_172 = arith.addi %mul3A_168, %get3A_171 : vector<16xi32>
    %swap3A_173 = arith.constant 48 : index
    %swap3A_174 = tpu.vector_load %arg8[%swap3A_173] {strides = array<i32>} : memref<128xi32, #tpu.memory_space<vmem>>, vector<16xi32>,
    %swap3A_175 = vector.shape_cast %swap3A_174 : vector<16xi32> to vector<16xi32>
    %swap3A_176 = vector.shape_cast %add3A_172 : vector<16xi32> to vector<16xi32>
    tpu.vector_store %arg8[%swap3A_173], %swap3A_176 {strides = array<i32>} : memref<128xi32, #tpu.memory_space<vmem>>, vector<16xi32>,
    %get3A_177 = arith.constant 64 : index
    %get3A_178 = tpu.vector_load %arg6[%get3A_177] {strides = array<i32>} : memref<128xi32, #tpu.memory_space<vmem>>, vector<16xi32>,
    %get3A_179 = vector.shape_cast %get3A_178 : vector<16xi32> to vector<16xi32>
    %mul3A_180 = arith.constant 4 : i32
    %mul3A_181 = vector.broadcast %mul3A_180 : i32 to vector<16xi32>
    %mul3A_182 = arith.muli %get3A_179, %mul3A_181 : vector<16xi32>
    %get3A_183 = arith.constant 64 : index
    %get3A_184 = tpu.vector_load %arg7[%get3A_183] {strides = array<i32>} : memref<128xi32, #tpu.memory_space<vmem>>, vector<16xi32>,
    %get3A_185 = vector.shape_cast %get3A_184 : vector<16xi32> to vector<16xi32>
    %add3A_186 = arith.addi %mul3A_182, %get3A_185 : vector<16xi32>
    %swap3A_187 = arith.constant 64 : index
    %swap3A_188 = tpu.vector_load %arg8[%swap3A_187] {strides = array<i32>} : memref<128xi32, #tpu.memory_space<vmem>>, vector<16xi32>,
    %swap3A_189 = vector.shape_cast %swap3A_188 : vector<16xi32> to vector<16xi32>
    %swap3A_190 = vector.shape_cast %add3A_186 : vector<16xi32> to vector<16xi32>
    tpu.vector_store %arg8[%swap3A_187], %swap3A_190 {strides = array<i32>} : memref<128xi32, #tpu.memory_space<vmem>>, vector<16xi32>,
    %get3A_191 = arith.constant 80 : index
    %get3A_192 = tpu.vector_load %arg6[%get3A_191] {strides = array<i32>} : memref<128xi32, #tpu.memory_space<vmem>>, vector<16xi32>,
    %get3A_193 = vector.shape_cast %get3A_192 : vector<16xi32> to vector<16xi32>
    %mul3A_194 = arith.constant 4 : i32
    %mul3A_195 = vector.broadcast %mul3A_194 : i32 to vector<16xi32>
    %mul3A_196 = arith.muli %get3A_193, %mul3A_195 : vector<16xi32>
    %get3A_197 = arith.constant 80 : index
    %get3A_198 = tpu.vector_load %arg7[%get3A_197] {strides = array<i32>} : memref<128xi32, #tpu.memory_space<vmem>>, vector<16xi32>,
    %get3A_199 = vector.shape_cast %get3A_198 : vector<16xi32> to vector<16xi32>
    %add3A_200 = arith.addi %mul3A_196, %get3A_199 : vector<16xi32>
    %swap3A_201 = arith.constant 80 : index
    %swap3A_202 = tpu.vector_load %arg8[%swap3A_201] {strides = array<i32>} : memref<128xi32, #tpu.memory_space<vmem>>, vector<16xi32>,
    %swap3A_203 = vector.shape_cast %swap3A_202 : vector<16xi32> to vector<16xi32>
    %swap3A_204 = vector.shape_cast %add3A_200 : vector<16xi32> to vector<16xi32>
    tpu.vector_store %arg8[%swap3A_201], %swap3A_204 {strides = array<i32>} : memref<128xi32, #tpu.memory_space<vmem>>, vector<16xi32>,
    %get3A_205 = arith.constant 96 : index
    %get3A_206 = tpu.vector_load %arg6[%get3A_205] {strides = array<i32>} : memref<128xi32, #tpu.memory_space<vmem>>, vector<16xi32>,
    %get3A_207 = vector.shape_cast %get3A_206 : vector<16xi32> to vector<16xi32>
    %mul3A_208 = arith.constant 4 : i32
    %mul3A_209 = vector.broadcast %mul3A_208 : i32 to vector<16xi32>
    %mul3A_210 = arith.muli %get3A_207, %mul3A_209 : vector<16xi32>
    %get3A_211 = arith.constant 96 : index
    %get3A_212 = tpu.vector_load %arg7[%get3A_211] {strides = array<i32>} : memref<128xi32, #tpu.memory_space<vmem>>, vector<16xi32>,
    %get3A_213 = vector.shape_cast %get3A_212 : vector<16xi32> to vector<16xi32>
    %add3A_214 = arith.addi %mul3A_210, %get3A_213 : vector<16xi32>
    %swap3A_215 = arith.constant 96 : index
    %swap3A_216 = tpu.vector_load %arg8[%swap3A_215] {strides = array<i32>} : memref<128xi32, #tpu.memory_space<vmem>>, vector<16xi32>,
    %swap3A_217 = vector.shape_cast %swap3A_216 : vector<16xi32> to vector<16xi32>
    %swap3A_218 = vector.shape_cast %add3A_214 : vector<16xi32> to vector<16xi32>
    tpu.vector_store %arg8[%swap3A_215], %swap3A_218 {strides = array<i32>} : memref<128xi32, #tpu.memory_space<vmem>>, vector<16xi32>,
    %get3A_219 = arith.constant 112 : index
    %get3A_220 = tpu.vector_load %arg6[%get3A_219] {strides = array<i32>} : memref<128xi32, #tpu.memory_space<vmem>>, vector<16xi32>,
    %get3A_221 = vector.shape_cast %get3A_220 : vector<16xi32> to vector<16xi32>
    %mul3A_222 = arith.constant 4 : i32
    %mul3A_223 = vector.broadcast %mul3A_222 : i32 to vector<16xi32>
    %mul3A_224 = arith.muli %get3A_221, %mul3A_223 : vector<16xi32>
    %get3A_225 = arith.constant 112 : index
    %get3A_226 = tpu.vector_load %arg7[%get3A_225] {strides = array<i32>} : memref<128xi32, #tpu.memory_space<vmem>>, vector<16xi32>,
    %get3A_227 = vector.shape_cast %get3A_226 : vector<16xi32> to vector<16xi32>
    %add3A_228 = arith.addi %mul3A_224, %get3A_227 : vector<16xi32>
    %swap3A_229 = arith.constant 112 : index
    %swap3A_230 = tpu.vector_load %arg8[%swap3A_229] {strides = array<i32>} : memref<128xi32, #tpu.memory_space<vmem>>, vector<16xi32>,
    %swap3A_231 = vector.shape_cast %swap3A_230 : vector<16xi32> to vector<16xi32>
    %swap3A_232 = vector.shape_cast %add3A_228 : vector<16xi32> to vector<16xi32>
    tpu.vector_store %arg8[%swap3A_229], %swap3A_232 {strides = array<i32>} : memref<128xi32, #tpu.memory_space<vmem>>, vector<16xi32>,
    %dma_start3A_233 = arith.constant 0 : i32
    %dma_start3A_234 = arith.constant 0 : i32
    %dma_start3A_235 = tpu.memref_slice %arg2[%dma_start3A_233, %dma_start3A_234] : memref<512x512xf32, #tpu.memory_space<hbm>> -> memref<512x512xf32, #tpu.memory_space<hbm>>
    tpu.enqueue_indirect_dma source(%dma_start3A_235 : memref<512x512xf32, #tpu.memory_space<hbm>>) target(%arg9 : memref<128x512xf32, #tpu.memory_space<vmem>>) offsets(%arg8 : memref<128xi32, #tpu.memory_space<vmem>>) semaphore(%arg10 : memref<!tpu.dma_semaphore, #tpu.memory_space<semaphore_mem>>)
    %dma_wait3A_236 = arith.constant 0 : i32
    %dma_wait3A_237 = arith.constant 0 : i32
    %dma_wait3A_238 = tpu.memref_slice %arg2[%dma_wait3A_236, %dma_wait3A_237] : memref<512x512xf32, #tpu.memory_space<hbm>> -> memref<512x512xf32, #tpu.memory_space<hbm>>
    tpu.wait_indirect_dma semaphore(%arg10 : memref<!tpu.dma_semaphore, #tpu.memory_space<semaphore_mem>>) src(%dma_wait3A_238 : memref<512x512xf32, #tpu.memory_space<hbm>>) dst(%arg9 : memref<128x512xf32, #tpu.memory_space<vmem>>)
    "tpu.region"() ({
      %run_scoped3A = tpu.sem_alloc : memref<!tpu.dma_semaphore, #tpu.memory_space<semaphore_mem>>
      %dma_start3A_239 = arith.constant 0 : i32
      %dma_start3A_240 = tpu.memref_slice %arg5[%add3A_120, %dma_start3A_239] : memref<8192x512xf32, #tpu.memory_space<hbm>> -> memref<128x512xf32, #tpu.memory_space<hbm>>
      %dma_start3A_241 = arith.constant 0 : i32
      %dma_start3A_242 = tpu.memref_slice %arg5[%add3A_120, %dma_start3A_241] : memref<8192x512xf32, #tpu.memory_space<hbm>> -> memref<128x512xf32, #tpu.memory_space<hbm>>
      tpu.enqueue_dma source(%arg9 : memref<128x512xf32, #tpu.memory_space<vmem>>) target(%dma_start3A_242 : memref<128x512xf32, #tpu.memory_space<hbm>>) target_semaphore(%run_scoped3A : memref<!tpu.dma_semaphore, #tpu.memory_space<semaphore_mem>>)
      %dma_wait3A_243 = arith.constant 0 : i32
      %dma_wait3A_244 = tpu.memref_slice %arg5[%add3A_120, %dma_wait3A_243] : memref<8192x512xf32, #tpu.memory_space<hbm>> -> memref<128x512xf32, #tpu.memory_space<hbm>>
      %dma_wait3A_245 = arith.constant 0 : i32
      %dma_wait3A_246 = tpu.memref_slice %arg5[%add3A_120, %dma_wait3A_245] : memref<8192x512xf32, #tpu.memory_space<hbm>> -> memref<128x512xf32, #tpu.memory_space<hbm>>
      tpu.wait_dma2 semaphore(%run_scoped3A : memref<!tpu.dma_semaphore, #tpu.memory_space<semaphore_mem>>) src(%arg9 : memref<128x512xf32, #tpu.memory_space<vmem>>) dst(%dma_wait3A_246 : memref<128x512xf32, #tpu.memory_space<hbm>>)
      tpu.yield
    }) : () -> ()
    return
  }
}

module attributes {stable_mosaic.version = 14 : i64} {
  func.func @_pair_kernel(%arg0: i32, %arg1: memref<1x256x1xi32, #tpu.memory_space<vmem>>, %arg2: memref<1x1x256xi32, #tpu.memory_space<vmem>>, %arg3: memref<1x256x1xf32, #tpu.memory_space<vmem>>, %arg4: memref<1x1x256xf32, #tpu.memory_space<vmem>>, %arg5: memref<1x256x1xf32, #tpu.memory_space<vmem>>, %arg6: memref<1x1x256xf32, #tpu.memory_space<vmem>>, %arg7: memref<1x256x1xf32, #tpu.memory_space<vmem>>, %arg8: memref<1x1x256xf32, #tpu.memory_space<vmem>>, %arg9: memref<1x256x256xi32, #tpu.memory_space<vmem>>, %arg10: memref<128x2048xf32, #tpu.memory_space<vmem>>, %arg11: memref<128x2048xf32, #tpu.memory_space<vmem>>, %arg12: memref<16x32xf32, #tpu.memory_space<vmem>>, %arg13: memref<16x16xf32, #tpu.memory_space<vmem>>, %arg14: memref<16xf32, #tpu.memory_space<smem>>, %arg15: memref<16xf32, #tpu.memory_space<smem>>, %arg16: memref<16xf32, #tpu.memory_space<smem>>, %arg17: memref<1x16x256x256xf32, #tpu.memory_space<vmem>>, %arg18: memref<16x256x256xf32, #tpu.memory_space<vmem>>) attributes {dimension_semantics = [#tpu.dimension_semantics<parallel>], iteration_bounds = array<i64: 32>, scalar_prefetch = 0 : i64, scratch_operands = 1 : i64, tpu.core_type = #tpu.core_type<tc>, window_params = [{transform_indices = @transform_0, window_bounds = array<i64: 1, 256, 1>}, {transform_indices = @transform_1, window_bounds = array<i64: 1, 1, 256>}, {transform_indices = @transform_2, window_bounds = array<i64: 1, 256, 1>}, {transform_indices = @transform_3, window_bounds = array<i64: 1, 1, 256>}, {transform_indices = @transform_4, window_bounds = array<i64: 1, 256, 1>}, {transform_indices = @transform_5, window_bounds = array<i64: 1, 1, 256>}, {transform_indices = @transform_6, window_bounds = array<i64: 1, 256, 1>}, {transform_indices = @transform_7, window_bounds = array<i64: 1, 1, 256>}, {transform_indices = @transform_8, window_bounds = array<i64: 1, 256, 256>}, {pipeline_mode = #tpu.pipeline_mode<synchronous>, transform_indices = @transform_9, window_bounds = array<i64: 128, 2048>}, {pipeline_mode = #tpu.pipeline_mode<synchronous>, transform_indices = @transform_10, window_bounds = array<i64: 128, 2048>}, {pipeline_mode = #tpu.pipeline_mode<synchronous>, transform_indices = @transform_11, window_bounds = array<i64: 16, 32>}, {pipeline_mode = #tpu.pipeline_mode<synchronous>, transform_indices = @transform_12, window_bounds = array<i64: 16, 16>}, {transform_indices = @transform_13, window_bounds = array<i64: 16>}, {transform_indices = @transform_14, window_bounds = array<i64: 16>}, {transform_indices = @transform_15, window_bounds = array<i64: 16>}, {transform_indices = @transform_16, window_bounds = array<i64: 1, 16, 256, 256>}]} {
    %get3A = arith.constant 0 : index
    %get3A_0 = arith.constant 0 : index
    %get3A_1 = arith.constant 0 : index
    %get3A_2 = vector.load %arg1[%get3A, %get3A_0, %get3A_1] : memref<1x256x1xi32, #tpu.memory_space<vmem>>, vector<1x256x1xi32>
    %get3A_3 = vector.shape_cast %get3A_2 : vector<1x256x1xi32> to vector<256x1xi32>
    %get3A_4 = arith.constant 0 : index
    %get3A_5 = arith.constant 0 : index
    %get3A_6 = arith.constant 0 : index
    %get3A_7 = vector.load %arg2[%get3A_4, %get3A_5, %get3A_6] : memref<1x1x256xi32, #tpu.memory_space<vmem>>, vector<1x1x256xi32>
    %get3A_8 = vector.shape_cast %get3A_7 : vector<1x1x256xi32> to vector<1x256xi32>
    %iota3A = tpu.iota {dimensions = array<i32: 1>} : vector<256x128xi32>
    %eq3A = vector.broadcast %get3A_3 : vector<256x1xi32> to vector<256x128xi32>
    %eq3A_9 = arith.cmpi eq, %eq3A, %iota3A : vector<256x128xi32>
    %convert_element_type3A = arith.extui %eq3A_9 : vector<256x128xi1> to vector<256x128xi32>
    %convert_element_type3A_10 = arith.sitofp %convert_element_type3A : vector<256x128xi32> to vector<256x128xf32>
    %get3A_11 = arith.constant 0 : index
    %get3A_12 = arith.constant 0 : index
    %get3A_13 = vector.load %arg10[%get3A_11, %get3A_12] : memref<128x2048xf32, #tpu.memory_space<vmem>>, vector<128x2048xf32>
    %dot_general3A = arith.constant dense<0.000000e+00> : vector<256x2048xf32>
    %dot_general3A_14 = tpu.matmul %convert_element_type3A_10, %get3A_13, %dot_general3A {dimension_numbers = #tpu.dot_dimension_numbers<[1], [0], [0], [1], [0, 0, 1, 1], [], []>, transpose_lhs_hint = false} : vector<256x128xf32>, vector<128x2048xf32>, vector<256x2048xf32> -> vector<256x2048xf32>
    %get3A_15 = arith.constant 0 : index
    %get3A_16 = arith.constant 0 : index
    %get3A_17 = vector.load %arg11[%get3A_15, %get3A_16] : memref<128x2048xf32, #tpu.memory_space<vmem>>, vector<128x2048xf32>
    %dot_general3A_18 = arith.constant dense<0.000000e+00> : vector<256x2048xf32>
    %dot_general3A_19 = tpu.matmul %convert_element_type3A_10, %get3A_17, %dot_general3A_18 {dimension_numbers = #tpu.dot_dimension_numbers<[1], [0], [0], [1], [0, 0, 1, 1], [], []>, transpose_lhs_hint = false} : vector<256x128xf32>, vector<128x2048xf32>, vector<256x2048xf32> -> vector<256x2048xf32>
    %get3A_20 = arith.constant 0 : index
    %get3A_21 = arith.constant 0 : index
    %get3A_22 = arith.constant 0 : index
    %get3A_23 = vector.load %arg3[%get3A_20, %get3A_21, %get3A_22] : memref<1x256x1xf32, #tpu.memory_space<vmem>>, vector<1x256x1xf32>
    %get3A_24 = vector.shape_cast %get3A_23 : vector<1x256x1xf32> to vector<256x1xf32>
    %get3A_25 = arith.constant 0 : index
    %get3A_26 = arith.constant 0 : index
    %get3A_27 = arith.constant 0 : index
    %get3A_28 = vector.load %arg4[%get3A_25, %get3A_26, %get3A_27] : memref<1x1x256xf32, #tpu.memory_space<vmem>>, vector<1x1x256xf32>
    %get3A_29 = vector.shape_cast %get3A_28 : vector<1x1x256xf32> to vector<1x256xf32>
    %sub3A = vector.broadcast %get3A_24 : vector<256x1xf32> to vector<256x256xf32>
    %sub3A_30 = vector.broadcast %get3A_29 : vector<1x256xf32> to vector<256x256xf32>
    %sub3A_31 = arith.subf %sub3A, %sub3A_30 : vector<256x256xf32>
    %get3A_32 = arith.constant 0 : index
    %get3A_33 = arith.constant 0 : index
    %get3A_34 = arith.constant 0 : index
    %get3A_35 = vector.load %arg5[%get3A_32, %get3A_33, %get3A_34] : memref<1x256x1xf32, #tpu.memory_space<vmem>>, vector<1x256x1xf32>
    %get3A_36 = vector.shape_cast %get3A_35 : vector<1x256x1xf32> to vector<256x1xf32>
    %get3A_37 = arith.constant 0 : index
    %get3A_38 = arith.constant 0 : index
    %get3A_39 = arith.constant 0 : index
    %get3A_40 = vector.load %arg6[%get3A_37, %get3A_38, %get3A_39] : memref<1x1x256xf32, #tpu.memory_space<vmem>>, vector<1x1x256xf32>
    %get3A_41 = vector.shape_cast %get3A_40 : vector<1x1x256xf32> to vector<1x256xf32>
    %sub3A_42 = vector.broadcast %get3A_36 : vector<256x1xf32> to vector<256x256xf32>
    %sub3A_43 = vector.broadcast %get3A_41 : vector<1x256xf32> to vector<256x256xf32>
    %sub3A_44 = arith.subf %sub3A_42, %sub3A_43 : vector<256x256xf32>
    %get3A_45 = arith.constant 0 : index
    %get3A_46 = arith.constant 0 : index
    %get3A_47 = arith.constant 0 : index
    %get3A_48 = vector.load %arg7[%get3A_45, %get3A_46, %get3A_47] : memref<1x256x1xf32, #tpu.memory_space<vmem>>, vector<1x256x1xf32>
    %get3A_49 = vector.shape_cast %get3A_48 : vector<1x256x1xf32> to vector<256x1xf32>
    %get3A_50 = arith.constant 0 : index
    %get3A_51 = arith.constant 0 : index
    %get3A_52 = arith.constant 0 : index
    %get3A_53 = vector.load %arg8[%get3A_50, %get3A_51, %get3A_52] : memref<1x1x256xf32, #tpu.memory_space<vmem>>, vector<1x1x256xf32>
    %get3A_54 = vector.shape_cast %get3A_53 : vector<1x1x256xf32> to vector<1x256xf32>
    %sub3A_55 = vector.broadcast %get3A_49 : vector<256x1xf32> to vector<256x256xf32>
    %sub3A_56 = vector.broadcast %get3A_54 : vector<1x256xf32> to vector<256x256xf32>
    %sub3A_57 = arith.subf %sub3A_55, %sub3A_56 : vector<256x256xf32>
    %mul3A = arith.mulf %sub3A_31, %sub3A_31 : vector<256x256xf32>
    %mul3A_58 = arith.mulf %sub3A_44, %sub3A_44 : vector<256x256xf32>
    %add3A = arith.addf %mul3A, %mul3A_58 : vector<256x256xf32>
    %mul3A_59 = arith.mulf %sub3A_57, %sub3A_57 : vector<256x256xf32>
    %add3A_60 = arith.addf %add3A, %mul3A_59 : vector<256x256xf32>
    %add3A_61 = arith.constant 9.99999996E-13 : f32
    %add3A_62 = vector.broadcast %add3A_61 : f32 to vector<256x256xf32>
    %add3A_63 = arith.addf %add3A_60, %add3A_62 : vector<256x256xf32>
    %sqrt3A = math.sqrt %add3A_63 : vector<256x256xf32>
    %convert_element_type3A_64 = arith.truncf %convert_element_type3A_10 : vector<256x128xf32> to vector<256x128xbf16>
    %slice3A = vector.extract_strided_slice %dot_general3A_14 {offsets = [0, 0], sizes = [256, 128], strides = [1, 1]} : vector<256x2048xf32> to vector<256x128xf32>
    %slice3A_65 = vector.extract_strided_slice %dot_general3A_19 {offsets = [0, 0], sizes = [256, 128], strides = [1, 1]} : vector<256x2048xf32> to vector<256x128xf32>
    %concatenate3A = tpu.concatenate %slice3A, %slice3A_65 in 0 : vector<256x128xf32>, vector<256x128xf32> -> vector<512x128xf32>
    %convert_element_type3A_66 = arith.truncf %concatenate3A : vector<512x128xf32> to vector<512x128xbf16>
    %dot_general3A_67 = arith.constant dense<0.000000e+00> : vector<256x512xf32>
    %dot_general3A_68 = tpu.matmul %convert_element_type3A_64, %convert_element_type3A_66, %dot_general3A_67 {dimension_numbers = #tpu.dot_dimension_numbers<[1], [1], [0], [0], [0, 0, 1, 0], [], []>, transpose_lhs_hint = false} : vector<256x128xbf16>, vector<512x128xbf16>, vector<256x512xf32> -> vector<256x512xf32>
    %slice3A_69 = vector.extract_strided_slice %dot_general3A_68 {offsets = [0, 0], sizes = [256, 256], strides = [1, 1]} : vector<256x512xf32> to vector<256x256xf32>
    %slice3A_70 = vector.extract_strided_slice %dot_general3A_68 {offsets = [0, 256], sizes = [256, 256], strides = [1, 1]} : vector<256x512xf32> to vector<256x256xf32>
    %get3A_71 = arith.constant 0 : index
    %get3A_72 = memref.load %arg15[%get3A_71] : memref<16xf32, #tpu.memory_space<smem>>
    %abs3A = math.absf %get3A_72 : f32
    %add3A_73 = arith.constant 9.99999974E-6 : f32
    %add3A_74 = arith.addf %abs3A, %add3A_73 : f32
    %div3A = arith.constant 1.000000e+00 : f32
    %div3A_75 = arith.divf %div3A, %add3A_74 : f32
    %mul3A_76 = arith.mulf %slice3A_69, %sqrt3A : vector<256x256xf32>
    %add3A_77 = arith.addf %mul3A_76, %slice3A_70 : vector<256x256xf32>
    %get3A_78 = arith.constant 0 : index
    %get3A_79 = memref.load %arg14[%get3A_78] : memref<16xf32, #tpu.memory_space<smem>>
    %sub3A_80 = vector.broadcast %get3A_79 : f32 to vector<256x256xf32>
    %sub3A_81 = arith.subf %add3A_77, %sub3A_80 : vector<256x256xf32>
    %mul3A_82 = vector.broadcast %div3A_75 : f32 to vector<256x256xf32>
    %mul3A_83 = arith.mulf %sub3A_81, %mul3A_82 : vector<256x256xf32>
    %mul3A_84 = arith.constant -5.000000e-01 : f32
    %mul3A_85 = vector.broadcast %mul3A_84 : f32 to vector<256x256xf32>
    %mul3A_86 = arith.mulf %mul3A_85, %mul3A_83 : vector<256x256xf32>
    %mul3A_87 = arith.mulf %mul3A_86, %mul3A_83 : vector<256x256xf32>
    %exp3A = math.exp %mul3A_87 : vector<256x256xf32>
    %mul3A_88 = arith.constant 0.398942292 : f32
    %mul3A_89 = arith.mulf %mul3A_88, %div3A_75 : f32
    %mul3A_90 = vector.broadcast %mul3A_89 : f32 to vector<256x256xf32>
    %mul3A_91 = arith.mulf %exp3A, %mul3A_90 : vector<256x256xf32>
    %swap3A = arith.constant 0 : index
    %swap3A_92 = arith.constant 0 : index
    %swap3A_93 = arith.constant 0 : index
    %swap3A_94 = vector.load %arg18[%swap3A, %swap3A_92, %swap3A_93] : memref<16x256x256xf32, #tpu.memory_space<vmem>>, vector<1x256x256xf32>
    %swap3A_95 = vector.shape_cast %swap3A_94 : vector<1x256x256xf32> to vector<256x256xf32>
    %swap3A_96 = vector.shape_cast %mul3A_91 : vector<256x256xf32> to vector<1x256x256xf32>
    tpu.vector_store %arg18[%swap3A, %swap3A_92, %swap3A_93], %swap3A_96 {strides = array<i32>} : memref<16x256x256xf32, #tpu.memory_space<vmem>>, vector<1x256x256xf32>,
    %slice3A_97 = vector.extract_strided_slice %dot_general3A_14 {offsets = [0, 128], sizes = [256, 128], strides = [1, 1]} : vector<256x2048xf32> to vector<256x128xf32>
    %slice3A_98 = vector.extract_strided_slice %dot_general3A_19 {offsets = [0, 128], sizes = [256, 128], strides = [1, 1]} : vector<256x2048xf32> to vector<256x128xf32>
    %concatenate3A_99 = tpu.concatenate %slice3A_97, %slice3A_98 in 0 : vector<256x128xf32>, vector<256x128xf32> -> vector<512x128xf32>
    %convert_element_type3A_100 = arith.truncf %concatenate3A_99 : vector<512x128xf32> to vector<512x128xbf16>
    %dot_general3A_101 = arith.constant dense<0.000000e+00> : vector<256x512xf32>
    %dot_general3A_102 = tpu.matmul %convert_element_type3A_64, %convert_element_type3A_100, %dot_general3A_101 {dimension_numbers = #tpu.dot_dimension_numbers<[1], [1], [0], [0], [0, 0, 1, 0], [], []>, transpose_lhs_hint = false} : vector<256x128xbf16>, vector<512x128xbf16>, vector<256x512xf32> -> vector<256x512xf32>
    %slice3A_103 = vector.extract_strided_slice %dot_general3A_102 {offsets = [0, 0], sizes = [256, 256], strides = [1, 1]} : vector<256x512xf32> to vector<256x256xf32>
    %slice3A_104 = vector.extract_strided_slice %dot_general3A_102 {offsets = [0, 256], sizes = [256, 256], strides = [1, 1]} : vector<256x512xf32> to vector<256x256xf32>
    %get3A_105 = arith.constant 1 : index
    %get3A_106 = memref.load %arg15[%get3A_105] : memref<16xf32, #tpu.memory_space<smem>>
    %abs3A_107 = math.absf %get3A_106 : f32
    %add3A_108 = arith.constant 9.99999974E-6 : f32
    %add3A_109 = arith.addf %abs3A_107, %add3A_108 : f32
    %div3A_110 = arith.constant 1.000000e+00 : f32
    %div3A_111 = arith.divf %div3A_110, %add3A_109 : f32
    %mul3A_112 = arith.mulf %slice3A_103, %sqrt3A : vector<256x256xf32>
    %add3A_113 = arith.addf %mul3A_112, %slice3A_104 : vector<256x256xf32>
    %get3A_114 = arith.constant 1 : index
    %get3A_115 = memref.load %arg14[%get3A_114] : memref<16xf32, #tpu.memory_space<smem>>
    %sub3A_116 = vector.broadcast %get3A_115 : f32 to vector<256x256xf32>
    %sub3A_117 = arith.subf %add3A_113, %sub3A_116 : vector<256x256xf32>
    %mul3A_118 = vector.broadcast %div3A_111 : f32 to vector<256x256xf32>
    %mul3A_119 = arith.mulf %sub3A_117, %mul3A_118 : vector<256x256xf32>
    %mul3A_120 = arith.constant -5.000000e-01 : f32
    %mul3A_121 = vector.broadcast %mul3A_120 : f32 to vector<256x256xf32>
    %mul3A_122 = arith.mulf %mul3A_121, %mul3A_119 : vector<256x256xf32>
    %mul3A_123 = arith.mulf %mul3A_122, %mul3A_119 : vector<256x256xf32>
    %exp3A_124 = math.exp %mul3A_123 : vector<256x256xf32>
    %mul3A_125 = arith.constant 0.398942292 : f32
    %mul3A_126 = arith.mulf %mul3A_125, %div3A_111 : f32
    %mul3A_127 = vector.broadcast %mul3A_126 : f32 to vector<256x256xf32>
    %mul3A_128 = arith.mulf %exp3A_124, %mul3A_127 : vector<256x256xf32>
    %swap3A_129 = arith.constant 1 : index
    %swap3A_130 = arith.constant 0 : index
    %swap3A_131 = arith.constant 0 : index
    %swap3A_132 = vector.load %arg18[%swap3A_129, %swap3A_130, %swap3A_131] : memref<16x256x256xf32, #tpu.memory_space<vmem>>, vector<1x256x256xf32>
    %swap3A_133 = vector.shape_cast %swap3A_132 : vector<1x256x256xf32> to vector<256x256xf32>
    %swap3A_134 = vector.shape_cast %mul3A_128 : vector<256x256xf32> to vector<1x256x256xf32>
    tpu.vector_store %arg18[%swap3A_129, %swap3A_130, %swap3A_131], %swap3A_134 {strides = array<i32>} : memref<16x256x256xf32, #tpu.memory_space<vmem>>, vector<1x256x256xf32>,
    %slice3A_135 = vector.extract_strided_slice %dot_general3A_14 {offsets = [0, 256], sizes = [256, 128], strides = [1, 1]} : vector<256x2048xf32> to vector<256x128xf32>
    %slice3A_136 = vector.extract_strided_slice %dot_general3A_19 {offsets = [0, 256], sizes = [256, 128], strides = [1, 1]} : vector<256x2048xf32> to vector<256x128xf32>
    %concatenate3A_137 = tpu.concatenate %slice3A_135, %slice3A_136 in 0 : vector<256x128xf32>, vector<256x128xf32> -> vector<512x128xf32>
    %convert_element_type3A_138 = arith.truncf %concatenate3A_137 : vector<512x128xf32> to vector<512x128xbf16>
    %dot_general3A_139 = arith.constant dense<0.000000e+00> : vector<256x512xf32>
    %dot_general3A_140 = tpu.matmul %convert_element_type3A_64, %convert_element_type3A_138, %dot_general3A_139 {dimension_numbers = #tpu.dot_dimension_numbers<[1], [1], [0], [0], [0, 0, 1, 0], [], []>, transpose_lhs_hint = false} : vector<256x128xbf16>, vector<512x128xbf16>, vector<256x512xf32> -> vector<256x512xf32>
    %slice3A_141 = vector.extract_strided_slice %dot_general3A_140 {offsets = [0, 0], sizes = [256, 256], strides = [1, 1]} : vector<256x512xf32> to vector<256x256xf32>
    %slice3A_142 = vector.extract_strided_slice %dot_general3A_140 {offsets = [0, 256], sizes = [256, 256], strides = [1, 1]} : vector<256x512xf32> to vector<256x256xf32>
    %get3A_143 = arith.constant 2 : index
    %get3A_144 = memref.load %arg15[%get3A_143] : memref<16xf32, #tpu.memory_space<smem>>
    %abs3A_145 = math.absf %get3A_144 : f32
    %add3A_146 = arith.constant 9.99999974E-6 : f32
    %add3A_147 = arith.addf %abs3A_145, %add3A_146 : f32
    %div3A_148 = arith.constant 1.000000e+00 : f32
    %div3A_149 = arith.divf %div3A_148, %add3A_147 : f32
    %mul3A_150 = arith.mulf %slice3A_141, %sqrt3A : vector<256x256xf32>
    %add3A_151 = arith.addf %mul3A_150, %slice3A_142 : vector<256x256xf32>
    %get3A_152 = arith.constant 2 : index
    %get3A_153 = memref.load %arg14[%get3A_152] : memref<16xf32, #tpu.memory_space<smem>>
    %sub3A_154 = vector.broadcast %get3A_153 : f32 to vector<256x256xf32>
    %sub3A_155 = arith.subf %add3A_151, %sub3A_154 : vector<256x256xf32>
    %mul3A_156 = vector.broadcast %div3A_149 : f32 to vector<256x256xf32>
    %mul3A_157 = arith.mulf %sub3A_155, %mul3A_156 : vector<256x256xf32>
    %mul3A_158 = arith.constant -5.000000e-01 : f32
    %mul3A_159 = vector.broadcast %mul3A_158 : f32 to vector<256x256xf32>
    %mul3A_160 = arith.mulf %mul3A_159, %mul3A_157 : vector<256x256xf32>
    %mul3A_161 = arith.mulf %mul3A_160, %mul3A_157 : vector<256x256xf32>
    %exp3A_162 = math.exp %mul3A_161 : vector<256x256xf32>
    %mul3A_163 = arith.constant 0.398942292 : f32
    %mul3A_164 = arith.mulf %mul3A_163, %div3A_149 : f32
    %mul3A_165 = vector.broadcast %mul3A_164 : f32 to vector<256x256xf32>
    %mul3A_166 = arith.mulf %exp3A_162, %mul3A_165 : vector<256x256xf32>
    %swap3A_167 = arith.constant 2 : index
    %swap3A_168 = arith.constant 0 : index
    %swap3A_169 = arith.constant 0 : index
    %swap3A_170 = vector.load %arg18[%swap3A_167, %swap3A_168, %swap3A_169] : memref<16x256x256xf32, #tpu.memory_space<vmem>>, vector<1x256x256xf32>
    %swap3A_171 = vector.shape_cast %swap3A_170 : vector<1x256x256xf32> to vector<256x256xf32>
    %swap3A_172 = vector.shape_cast %mul3A_166 : vector<256x256xf32> to vector<1x256x256xf32>
    tpu.vector_store %arg18[%swap3A_167, %swap3A_168, %swap3A_169], %swap3A_172 {strides = array<i32>} : memref<16x256x256xf32, #tpu.memory_space<vmem>>, vector<1x256x256xf32>,
    %slice3A_173 = vector.extract_strided_slice %dot_general3A_14 {offsets = [0, 384], sizes = [256, 128], strides = [1, 1]} : vector<256x2048xf32> to vector<256x128xf32>
    %slice3A_174 = vector.extract_strided_slice %dot_general3A_19 {offsets = [0, 384], sizes = [256, 128], strides = [1, 1]} : vector<256x2048xf32> to vector<256x128xf32>
    %concatenate3A_175 = tpu.concatenate %slice3A_173, %slice3A_174 in 0 : vector<256x128xf32>, vector<256x128xf32> -> vector<512x128xf32>
    %convert_element_type3A_176 = arith.truncf %concatenate3A_175 : vector<512x128xf32> to vector<512x128xbf16>
    %dot_general3A_177 = arith.constant dense<0.000000e+00> : vector<256x512xf32>
    %dot_general3A_178 = tpu.matmul %convert_element_type3A_64, %convert_element_type3A_176, %dot_general3A_177 {dimension_numbers = #tpu.dot_dimension_numbers<[1], [1], [0], [0], [0, 0, 1, 0], [], []>, transpose_lhs_hint = false} : vector<256x128xbf16>, vector<512x128xbf16>, vector<256x512xf32> -> vector<256x512xf32>
    %slice3A_179 = vector.extract_strided_slice %dot_general3A_178 {offsets = [0, 0], sizes = [256, 256], strides = [1, 1]} : vector<256x512xf32> to vector<256x256xf32>
    %slice3A_180 = vector.extract_strided_slice %dot_general3A_178 {offsets = [0, 256], sizes = [256, 256], strides = [1, 1]} : vector<256x512xf32> to vector<256x256xf32>
    %get3A_181 = arith.constant 3 : index
    %get3A_182 = memref.load %arg15[%get3A_181] : memref<16xf32, #tpu.memory_space<smem>>
    %abs3A_183 = math.absf %get3A_182 : f32
    %add3A_184 = arith.constant 9.99999974E-6 : f32
    %add3A_185 = arith.addf %abs3A_183, %add3A_184 : f32
    %div3A_186 = arith.constant 1.000000e+00 : f32
    %div3A_187 = arith.divf %div3A_186, %add3A_185 : f32
    %mul3A_188 = arith.mulf %slice3A_179, %sqrt3A : vector<256x256xf32>
    %add3A_189 = arith.addf %mul3A_188, %slice3A_180 : vector<256x256xf32>
    %get3A_190 = arith.constant 3 : index
    %get3A_191 = memref.load %arg14[%get3A_190] : memref<16xf32, #tpu.memory_space<smem>>
    %sub3A_192 = vector.broadcast %get3A_191 : f32 to vector<256x256xf32>
    %sub3A_193 = arith.subf %add3A_189, %sub3A_192 : vector<256x256xf32>
    %mul3A_194 = vector.broadcast %div3A_187 : f32 to vector<256x256xf32>
    %mul3A_195 = arith.mulf %sub3A_193, %mul3A_194 : vector<256x256xf32>
    %mul3A_196 = arith.constant -5.000000e-01 : f32
    %mul3A_197 = vector.broadcast %mul3A_196 : f32 to vector<256x256xf32>
    %mul3A_198 = arith.mulf %mul3A_197, %mul3A_195 : vector<256x256xf32>
    %mul3A_199 = arith.mulf %mul3A_198, %mul3A_195 : vector<256x256xf32>
    %exp3A_200 = math.exp %mul3A_199 : vector<256x256xf32>
    %mul3A_201 = arith.constant 0.398942292 : f32
    %mul3A_202 = arith.mulf %mul3A_201, %div3A_187 : f32
    %mul3A_203 = vector.broadcast %mul3A_202 : f32 to vector<256x256xf32>
    %mul3A_204 = arith.mulf %exp3A_200, %mul3A_203 : vector<256x256xf32>
    %swap3A_205 = arith.constant 3 : index
    %swap3A_206 = arith.constant 0 : index
    %swap3A_207 = arith.constant 0 : index
    %swap3A_208 = vector.load %arg18[%swap3A_205, %swap3A_206, %swap3A_207] : memref<16x256x256xf32, #tpu.memory_space<vmem>>, vector<1x256x256xf32>
    %swap3A_209 = vector.shape_cast %swap3A_208 : vector<1x256x256xf32> to vector<256x256xf32>
    %swap3A_210 = vector.shape_cast %mul3A_204 : vector<256x256xf32> to vector<1x256x256xf32>
    tpu.vector_store %arg18[%swap3A_205, %swap3A_206, %swap3A_207], %swap3A_210 {strides = array<i32>} : memref<16x256x256xf32, #tpu.memory_space<vmem>>, vector<1x256x256xf32>,
    %slice3A_211 = vector.extract_strided_slice %dot_general3A_14 {offsets = [0, 512], sizes = [256, 128], strides = [1, 1]} : vector<256x2048xf32> to vector<256x128xf32>
    %slice3A_212 = vector.extract_strided_slice %dot_general3A_19 {offsets = [0, 512], sizes = [256, 128], strides = [1, 1]} : vector<256x2048xf32> to vector<256x128xf32>
    %concatenate3A_213 = tpu.concatenate %slice3A_211, %slice3A_212 in 0 : vector<256x128xf32>, vector<256x128xf32> -> vector<512x128xf32>
    %convert_element_type3A_214 = arith.truncf %concatenate3A_213 : vector<512x128xf32> to vector<512x128xbf16>
    %dot_general3A_215 = arith.constant dense<0.000000e+00> : vector<256x512xf32>
    %dot_general3A_216 = tpu.matmul %convert_element_type3A_64, %convert_element_type3A_214, %dot_general3A_215 {dimension_numbers = #tpu.dot_dimension_numbers<[1], [1], [0], [0], [0, 0, 1, 0], [], []>, transpose_lhs_hint = false} : vector<256x128xbf16>, vector<512x128xbf16>, vector<256x512xf32> -> vector<256x512xf32>
    %slice3A_217 = vector.extract_strided_slice %dot_general3A_216 {offsets = [0, 0], sizes = [256, 256], strides = [1, 1]} : vector<256x512xf32> to vector<256x256xf32>
    %slice3A_218 = vector.extract_strided_slice %dot_general3A_216 {offsets = [0, 256], sizes = [256, 256], strides = [1, 1]} : vector<256x512xf32> to vector<256x256xf32>
    %get3A_219 = arith.constant 4 : index
    %get3A_220 = memref.load %arg15[%get3A_219] : memref<16xf32, #tpu.memory_space<smem>>
    %abs3A_221 = math.absf %get3A_220 : f32
    %add3A_222 = arith.constant 9.99999974E-6 : f32
    %add3A_223 = arith.addf %abs3A_221, %add3A_222 : f32
    %div3A_224 = arith.constant 1.000000e+00 : f32
    %div3A_225 = arith.divf %div3A_224, %add3A_223 : f32
    %mul3A_226 = arith.mulf %slice3A_217, %sqrt3A : vector<256x256xf32>
    %add3A_227 = arith.addf %mul3A_226, %slice3A_218 : vector<256x256xf32>
    %get3A_228 = arith.constant 4 : index
    %get3A_229 = memref.load %arg14[%get3A_228] : memref<16xf32, #tpu.memory_space<smem>>
    %sub3A_230 = vector.broadcast %get3A_229 : f32 to vector<256x256xf32>
    %sub3A_231 = arith.subf %add3A_227, %sub3A_230 : vector<256x256xf32>
    %mul3A_232 = vector.broadcast %div3A_225 : f32 to vector<256x256xf32>
    %mul3A_233 = arith.mulf %sub3A_231, %mul3A_232 : vector<256x256xf32>
    %mul3A_234 = arith.constant -5.000000e-01 : f32
    %mul3A_235 = vector.broadcast %mul3A_234 : f32 to vector<256x256xf32>
    %mul3A_236 = arith.mulf %mul3A_235, %mul3A_233 : vector<256x256xf32>
    %mul3A_237 = arith.mulf %mul3A_236, %mul3A_233 : vector<256x256xf32>
    %exp3A_238 = math.exp %mul3A_237 : vector<256x256xf32>
    %mul3A_239 = arith.constant 0.398942292 : f32
    %mul3A_240 = arith.mulf %mul3A_239, %div3A_225 : f32
    %mul3A_241 = vector.broadcast %mul3A_240 : f32 to vector<256x256xf32>
    %mul3A_242 = arith.mulf %exp3A_238, %mul3A_241 : vector<256x256xf32>
    %swap3A_243 = arith.constant 4 : index
    %swap3A_244 = arith.constant 0 : index
    %swap3A_245 = arith.constant 0 : index
    %swap3A_246 = vector.load %arg18[%swap3A_243, %swap3A_244, %swap3A_245] : memref<16x256x256xf32, #tpu.memory_space<vmem>>, vector<1x256x256xf32>
    %swap3A_247 = vector.shape_cast %swap3A_246 : vector<1x256x256xf32> to vector<256x256xf32>
    %swap3A_248 = vector.shape_cast %mul3A_242 : vector<256x256xf32> to vector<1x256x256xf32>
    tpu.vector_store %arg18[%swap3A_243, %swap3A_244, %swap3A_245], %swap3A_248 {strides = array<i32>} : memref<16x256x256xf32, #tpu.memory_space<vmem>>, vector<1x256x256xf32>,
    %slice3A_249 = vector.extract_strided_slice %dot_general3A_14 {offsets = [0, 640], sizes = [256, 128], strides = [1, 1]} : vector<256x2048xf32> to vector<256x128xf32>
    %slice3A_250 = vector.extract_strided_slice %dot_general3A_19 {offsets = [0, 640], sizes = [256, 128], strides = [1, 1]} : vector<256x2048xf32> to vector<256x128xf32>
    %concatenate3A_251 = tpu.concatenate %slice3A_249, %slice3A_250 in 0 : vector<256x128xf32>, vector<256x128xf32> -> vector<512x128xf32>
    %convert_element_type3A_252 = arith.truncf %concatenate3A_251 : vector<512x128xf32> to vector<512x128xbf16>
    %dot_general3A_253 = arith.constant dense<0.000000e+00> : vector<256x512xf32>
    %dot_general3A_254 = tpu.matmul %convert_element_type3A_64, %convert_element_type3A_252, %dot_general3A_253 {dimension_numbers = #tpu.dot_dimension_numbers<[1], [1], [0], [0], [0, 0, 1, 0], [], []>, transpose_lhs_hint = false} : vector<256x128xbf16>, vector<512x128xbf16>, vector<256x512xf32> -> vector<256x512xf32>
    %slice3A_255 = vector.extract_strided_slice %dot_general3A_254 {offsets = [0, 0], sizes = [256, 256], strides = [1, 1]} : vector<256x512xf32> to vector<256x256xf32>
    %slice3A_256 = vector.extract_strided_slice %dot_general3A_254 {offsets = [0, 256], sizes = [256, 256], strides = [1, 1]} : vector<256x512xf32> to vector<256x256xf32>
    %get3A_257 = arith.constant 5 : index
    %get3A_258 = memref.load %arg15[%get3A_257] : memref<16xf32, #tpu.memory_space<smem>>
    %abs3A_259 = math.absf %get3A_258 : f32
    %add3A_260 = arith.constant 9.99999974E-6 : f32
    %add3A_261 = arith.addf %abs3A_259, %add3A_260 : f32
    %div3A_262 = arith.constant 1.000000e+00 : f32
    %div3A_263 = arith.divf %div3A_262, %add3A_261 : f32
    %mul3A_264 = arith.mulf %slice3A_255, %sqrt3A : vector<256x256xf32>
    %add3A_265 = arith.addf %mul3A_264, %slice3A_256 : vector<256x256xf32>
    %get3A_266 = arith.constant 5 : index
    %get3A_267 = memref.load %arg14[%get3A_266] : memref<16xf32, #tpu.memory_space<smem>>
    %sub3A_268 = vector.broadcast %get3A_267 : f32 to vector<256x256xf32>
    %sub3A_269 = arith.subf %add3A_265, %sub3A_268 : vector<256x256xf32>
    %mul3A_270 = vector.broadcast %div3A_263 : f32 to vector<256x256xf32>
    %mul3A_271 = arith.mulf %sub3A_269, %mul3A_270 : vector<256x256xf32>
    %mul3A_272 = arith.constant -5.000000e-01 : f32
    %mul3A_273 = vector.broadcast %mul3A_272 : f32 to vector<256x256xf32>
    %mul3A_274 = arith.mulf %mul3A_273, %mul3A_271 : vector<256x256xf32>
    %mul3A_275 = arith.mulf %mul3A_274, %mul3A_271 : vector<256x256xf32>
    %exp3A_276 = math.exp %mul3A_275 : vector<256x256xf32>
    %mul3A_277 = arith.constant 0.398942292 : f32
    %mul3A_278 = arith.mulf %mul3A_277, %div3A_263 : f32
    %mul3A_279 = vector.broadcast %mul3A_278 : f32 to vector<256x256xf32>
    %mul3A_280 = arith.mulf %exp3A_276, %mul3A_279 : vector<256x256xf32>
    %swap3A_281 = arith.constant 5 : index
    %swap3A_282 = arith.constant 0 : index
    %swap3A_283 = arith.constant 0 : index
    %swap3A_284 = vector.load %arg18[%swap3A_281, %swap3A_282, %swap3A_283] : memref<16x256x256xf32, #tpu.memory_space<vmem>>, vector<1x256x256xf32>
    %swap3A_285 = vector.shape_cast %swap3A_284 : vector<1x256x256xf32> to vector<256x256xf32>
    %swap3A_286 = vector.shape_cast %mul3A_280 : vector<256x256xf32> to vector<1x256x256xf32>
    tpu.vector_store %arg18[%swap3A_281, %swap3A_282, %swap3A_283], %swap3A_286 {strides = array<i32>} : memref<16x256x256xf32, #tpu.memory_space<vmem>>, vector<1x256x256xf32>,
    %slice3A_287 = vector.extract_strided_slice %dot_general3A_14 {offsets = [0, 768], sizes = [256, 128], strides = [1, 1]} : vector<256x2048xf32> to vector<256x128xf32>
    %slice3A_288 = vector.extract_strided_slice %dot_general3A_19 {offsets = [0, 768], sizes = [256, 128], strides = [1, 1]} : vector<256x2048xf32> to vector<256x128xf32>
    %concatenate3A_289 = tpu.concatenate %slice3A_287, %slice3A_288 in 0 : vector<256x128xf32>, vector<256x128xf32> -> vector<512x128xf32>
    %convert_element_type3A_290 = arith.truncf %concatenate3A_289 : vector<512x128xf32> to vector<512x128xbf16>
    %dot_general3A_291 = arith.constant dense<0.000000e+00> : vector<256x512xf32>
    %dot_general3A_292 = tpu.matmul %convert_element_type3A_64, %convert_element_type3A_290, %dot_general3A_291 {dimension_numbers = #tpu.dot_dimension_numbers<[1], [1], [0], [0], [0, 0, 1, 0], [], []>, transpose_lhs_hint = false} : vector<256x128xbf16>, vector<512x128xbf16>, vector<256x512xf32> -> vector<256x512xf32>
    %slice3A_293 = vector.extract_strided_slice %dot_general3A_292 {offsets = [0, 0], sizes = [256, 256], strides = [1, 1]} : vector<256x512xf32> to vector<256x256xf32>
    %slice3A_294 = vector.extract_strided_slice %dot_general3A_292 {offsets = [0, 256], sizes = [256, 256], strides = [1, 1]} : vector<256x512xf32> to vector<256x256xf32>
    %get3A_295 = arith.constant 6 : index
    %get3A_296 = memref.load %arg15[%get3A_295] : memref<16xf32, #tpu.memory_space<smem>>
    %abs3A_297 = math.absf %get3A_296 : f32
    %add3A_298 = arith.constant 9.99999974E-6 : f32
    %add3A_299 = arith.addf %abs3A_297, %add3A_298 : f32
    %div3A_300 = arith.constant 1.000000e+00 : f32
    %div3A_301 = arith.divf %div3A_300, %add3A_299 : f32
    %mul3A_302 = arith.mulf %slice3A_293, %sqrt3A : vector<256x256xf32>
    %add3A_303 = arith.addf %mul3A_302, %slice3A_294 : vector<256x256xf32>
    %get3A_304 = arith.constant 6 : index
    %get3A_305 = memref.load %arg14[%get3A_304] : memref<16xf32, #tpu.memory_space<smem>>
    %sub3A_306 = vector.broadcast %get3A_305 : f32 to vector<256x256xf32>
    %sub3A_307 = arith.subf %add3A_303, %sub3A_306 : vector<256x256xf32>
    %mul3A_308 = vector.broadcast %div3A_301 : f32 to vector<256x256xf32>
    %mul3A_309 = arith.mulf %sub3A_307, %mul3A_308 : vector<256x256xf32>
    %mul3A_310 = arith.constant -5.000000e-01 : f32
    %mul3A_311 = vector.broadcast %mul3A_310 : f32 to vector<256x256xf32>
    %mul3A_312 = arith.mulf %mul3A_311, %mul3A_309 : vector<256x256xf32>
    %mul3A_313 = arith.mulf %mul3A_312, %mul3A_309 : vector<256x256xf32>
    %exp3A_314 = math.exp %mul3A_313 : vector<256x256xf32>
    %mul3A_315 = arith.constant 0.398942292 : f32
    %mul3A_316 = arith.mulf %mul3A_315, %div3A_301 : f32
    %mul3A_317 = vector.broadcast %mul3A_316 : f32 to vector<256x256xf32>
    %mul3A_318 = arith.mulf %exp3A_314, %mul3A_317 : vector<256x256xf32>
    %swap3A_319 = arith.constant 6 : index
    %swap3A_320 = arith.constant 0 : index
    %swap3A_321 = arith.constant 0 : index
    %swap3A_322 = vector.load %arg18[%swap3A_319, %swap3A_320, %swap3A_321] : memref<16x256x256xf32, #tpu.memory_space<vmem>>, vector<1x256x256xf32>
    %swap3A_323 = vector.shape_cast %swap3A_322 : vector<1x256x256xf32> to vector<256x256xf32>
    %swap3A_324 = vector.shape_cast %mul3A_318 : vector<256x256xf32> to vector<1x256x256xf32>
    tpu.vector_store %arg18[%swap3A_319, %swap3A_320, %swap3A_321], %swap3A_324 {strides = array<i32>} : memref<16x256x256xf32, #tpu.memory_space<vmem>>, vector<1x256x256xf32>,
    %slice3A_325 = vector.extract_strided_slice %dot_general3A_14 {offsets = [0, 896], sizes = [256, 128], strides = [1, 1]} : vector<256x2048xf32> to vector<256x128xf32>
    %slice3A_326 = vector.extract_strided_slice %dot_general3A_19 {offsets = [0, 896], sizes = [256, 128], strides = [1, 1]} : vector<256x2048xf32> to vector<256x128xf32>
    %concatenate3A_327 = tpu.concatenate %slice3A_325, %slice3A_326 in 0 : vector<256x128xf32>, vector<256x128xf32> -> vector<512x128xf32>
    %convert_element_type3A_328 = arith.truncf %concatenate3A_327 : vector<512x128xf32> to vector<512x128xbf16>
    %dot_general3A_329 = arith.constant dense<0.000000e+00> : vector<256x512xf32>
    %dot_general3A_330 = tpu.matmul %convert_element_type3A_64, %convert_element_type3A_328, %dot_general3A_329 {dimension_numbers = #tpu.dot_dimension_numbers<[1], [1], [0], [0], [0, 0, 1, 0], [], []>, transpose_lhs_hint = false} : vector<256x128xbf16>, vector<512x128xbf16>, vector<256x512xf32> -> vector<256x512xf32>
    %slice3A_331 = vector.extract_strided_slice %dot_general3A_330 {offsets = [0, 0], sizes = [256, 256], strides = [1, 1]} : vector<256x512xf32> to vector<256x256xf32>
    %slice3A_332 = vector.extract_strided_slice %dot_general3A_330 {offsets = [0, 256], sizes = [256, 256], strides = [1, 1]} : vector<256x512xf32> to vector<256x256xf32>
    %get3A_333 = arith.constant 7 : index
    %get3A_334 = memref.load %arg15[%get3A_333] : memref<16xf32, #tpu.memory_space<smem>>
    %abs3A_335 = math.absf %get3A_334 : f32
    %add3A_336 = arith.constant 9.99999974E-6 : f32
    %add3A_337 = arith.addf %abs3A_335, %add3A_336 : f32
    %div3A_338 = arith.constant 1.000000e+00 : f32
    %div3A_339 = arith.divf %div3A_338, %add3A_337 : f32
    %mul3A_340 = arith.mulf %slice3A_331, %sqrt3A : vector<256x256xf32>
    %add3A_341 = arith.addf %mul3A_340, %slice3A_332 : vector<256x256xf32>
    %get3A_342 = arith.constant 7 : index
    %get3A_343 = memref.load %arg14[%get3A_342] : memref<16xf32, #tpu.memory_space<smem>>
    %sub3A_344 = vector.broadcast %get3A_343 : f32 to vector<256x256xf32>
    %sub3A_345 = arith.subf %add3A_341, %sub3A_344 : vector<256x256xf32>
    %mul3A_346 = vector.broadcast %div3A_339 : f32 to vector<256x256xf32>
    %mul3A_347 = arith.mulf %sub3A_345, %mul3A_346 : vector<256x256xf32>
    %mul3A_348 = arith.constant -5.000000e-01 : f32
    %mul3A_349 = vector.broadcast %mul3A_348 : f32 to vector<256x256xf32>
    %mul3A_350 = arith.mulf %mul3A_349, %mul3A_347 : vector<256x256xf32>
    %mul3A_351 = arith.mulf %mul3A_350, %mul3A_347 : vector<256x256xf32>
    %exp3A_352 = math.exp %mul3A_351 : vector<256x256xf32>
    %mul3A_353 = arith.constant 0.398942292 : f32
    %mul3A_354 = arith.mulf %mul3A_353, %div3A_339 : f32
    %mul3A_355 = vector.broadcast %mul3A_354 : f32 to vector<256x256xf32>
    %mul3A_356 = arith.mulf %exp3A_352, %mul3A_355 : vector<256x256xf32>
    %swap3A_357 = arith.constant 7 : index
    %swap3A_358 = arith.constant 0 : index
    %swap3A_359 = arith.constant 0 : index
    %swap3A_360 = vector.load %arg18[%swap3A_357, %swap3A_358, %swap3A_359] : memref<16x256x256xf32, #tpu.memory_space<vmem>>, vector<1x256x256xf32>
    %swap3A_361 = vector.shape_cast %swap3A_360 : vector<1x256x256xf32> to vector<256x256xf32>
    %swap3A_362 = vector.shape_cast %mul3A_356 : vector<256x256xf32> to vector<1x256x256xf32>
    tpu.vector_store %arg18[%swap3A_357, %swap3A_358, %swap3A_359], %swap3A_362 {strides = array<i32>} : memref<16x256x256xf32, #tpu.memory_space<vmem>>, vector<1x256x256xf32>,
    %slice3A_363 = vector.extract_strided_slice %dot_general3A_14 {offsets = [0, 1024], sizes = [256, 128], strides = [1, 1]} : vector<256x2048xf32> to vector<256x128xf32>
    %slice3A_364 = vector.extract_strided_slice %dot_general3A_19 {offsets = [0, 1024], sizes = [256, 128], strides = [1, 1]} : vector<256x2048xf32> to vector<256x128xf32>
    %concatenate3A_365 = tpu.concatenate %slice3A_363, %slice3A_364 in 0 : vector<256x128xf32>, vector<256x128xf32> -> vector<512x128xf32>
    %convert_element_type3A_366 = arith.truncf %concatenate3A_365 : vector<512x128xf32> to vector<512x128xbf16>
    %dot_general3A_367 = arith.constant dense<0.000000e+00> : vector<256x512xf32>
    %dot_general3A_368 = tpu.matmul %convert_element_type3A_64, %convert_element_type3A_366, %dot_general3A_367 {dimension_numbers = #tpu.dot_dimension_numbers<[1], [1], [0], [0], [0, 0, 1, 0], [], []>, transpose_lhs_hint = false} : vector<256x128xbf16>, vector<512x128xbf16>, vector<256x512xf32> -> vector<256x512xf32>
    %slice3A_369 = vector.extract_strided_slice %dot_general3A_368 {offsets = [0, 0], sizes = [256, 256], strides = [1, 1]} : vector<256x512xf32> to vector<256x256xf32>
    %slice3A_370 = vector.extract_strided_slice %dot_general3A_368 {offsets = [0, 256], sizes = [256, 256], strides = [1, 1]} : vector<256x512xf32> to vector<256x256xf32>
    %get3A_371 = arith.constant 8 : index
    %get3A_372 = memref.load %arg15[%get3A_371] : memref<16xf32, #tpu.memory_space<smem>>
    %abs3A_373 = math.absf %get3A_372 : f32
    %add3A_374 = arith.constant 9.99999974E-6 : f32
    %add3A_375 = arith.addf %abs3A_373, %add3A_374 : f32
    %div3A_376 = arith.constant 1.000000e+00 : f32
    %div3A_377 = arith.divf %div3A_376, %add3A_375 : f32
    %mul3A_378 = arith.mulf %slice3A_369, %sqrt3A : vector<256x256xf32>
    %add3A_379 = arith.addf %mul3A_378, %slice3A_370 : vector<256x256xf32>
    %get3A_380 = arith.constant 8 : index
    %get3A_381 = memref.load %arg14[%get3A_380] : memref<16xf32, #tpu.memory_space<smem>>
    %sub3A_382 = vector.broadcast %get3A_381 : f32 to vector<256x256xf32>
    %sub3A_383 = arith.subf %add3A_379, %sub3A_382 : vector<256x256xf32>
    %mul3A_384 = vector.broadcast %div3A_377 : f32 to vector<256x256xf32>
    %mul3A_385 = arith.mulf %sub3A_383, %mul3A_384 : vector<256x256xf32>
    %mul3A_386 = arith.constant -5.000000e-01 : f32
    %mul3A_387 = vector.broadcast %mul3A_386 : f32 to vector<256x256xf32>
    %mul3A_388 = arith.mulf %mul3A_387, %mul3A_385 : vector<256x256xf32>
    %mul3A_389 = arith.mulf %mul3A_388, %mul3A_385 : vector<256x256xf32>
    %exp3A_390 = math.exp %mul3A_389 : vector<256x256xf32>
    %mul3A_391 = arith.constant 0.398942292 : f32
    %mul3A_392 = arith.mulf %mul3A_391, %div3A_377 : f32
    %mul3A_393 = vector.broadcast %mul3A_392 : f32 to vector<256x256xf32>
    %mul3A_394 = arith.mulf %exp3A_390, %mul3A_393 : vector<256x256xf32>
    %swap3A_395 = arith.constant 8 : index
    %swap3A_396 = arith.constant 0 : index
    %swap3A_397 = arith.constant 0 : index
    %swap3A_398 = vector.load %arg18[%swap3A_395, %swap3A_396, %swap3A_397] : memref<16x256x256xf32, #tpu.memory_space<vmem>>, vector<1x256x256xf32>
    %swap3A_399 = vector.shape_cast %swap3A_398 : vector<1x256x256xf32> to vector<256x256xf32>
    %swap3A_400 = vector.shape_cast %mul3A_394 : vector<256x256xf32> to vector<1x256x256xf32>
    tpu.vector_store %arg18[%swap3A_395, %swap3A_396, %swap3A_397], %swap3A_400 {strides = array<i32>} : memref<16x256x256xf32, #tpu.memory_space<vmem>>, vector<1x256x256xf32>,
    %slice3A_401 = vector.extract_strided_slice %dot_general3A_14 {offsets = [0, 1152], sizes = [256, 128], strides = [1, 1]} : vector<256x2048xf32> to vector<256x128xf32>
    %slice3A_402 = vector.extract_strided_slice %dot_general3A_19 {offsets = [0, 1152], sizes = [256, 128], strides = [1, 1]} : vector<256x2048xf32> to vector<256x128xf32>
    %concatenate3A_403 = tpu.concatenate %slice3A_401, %slice3A_402 in 0 : vector<256x128xf32>, vector<256x128xf32> -> vector<512x128xf32>
    %convert_element_type3A_404 = arith.truncf %concatenate3A_403 : vector<512x128xf32> to vector<512x128xbf16>
    %dot_general3A_405 = arith.constant dense<0.000000e+00> : vector<256x512xf32>
    %dot_general3A_406 = tpu.matmul %convert_element_type3A_64, %convert_element_type3A_404, %dot_general3A_405 {dimension_numbers = #tpu.dot_dimension_numbers<[1], [1], [0], [0], [0, 0, 1, 0], [], []>, transpose_lhs_hint = false} : vector<256x128xbf16>, vector<512x128xbf16>, vector<256x512xf32> -> vector<256x512xf32>
    %slice3A_407 = vector.extract_strided_slice %dot_general3A_406 {offsets = [0, 0], sizes = [256, 256], strides = [1, 1]} : vector<256x512xf32> to vector<256x256xf32>
    %slice3A_408 = vector.extract_strided_slice %dot_general3A_406 {offsets = [0, 256], sizes = [256, 256], strides = [1, 1]} : vector<256x512xf32> to vector<256x256xf32>
    %get3A_409 = arith.constant 9 : index
    %get3A_410 = memref.load %arg15[%get3A_409] : memref<16xf32, #tpu.memory_space<smem>>
    %abs3A_411 = math.absf %get3A_410 : f32
    %add3A_412 = arith.constant 9.99999974E-6 : f32
    %add3A_413 = arith.addf %abs3A_411, %add3A_412 : f32
    %div3A_414 = arith.constant 1.000000e+00 : f32
    %div3A_415 = arith.divf %div3A_414, %add3A_413 : f32
    %mul3A_416 = arith.mulf %slice3A_407, %sqrt3A : vector<256x256xf32>
    %add3A_417 = arith.addf %mul3A_416, %slice3A_408 : vector<256x256xf32>
    %get3A_418 = arith.constant 9 : index
    %get3A_419 = memref.load %arg14[%get3A_418] : memref<16xf32, #tpu.memory_space<smem>>
    %sub3A_420 = vector.broadcast %get3A_419 : f32 to vector<256x256xf32>
    %sub3A_421 = arith.subf %add3A_417, %sub3A_420 : vector<256x256xf32>
    %mul3A_422 = vector.broadcast %div3A_415 : f32 to vector<256x256xf32>
    %mul3A_423 = arith.mulf %sub3A_421, %mul3A_422 : vector<256x256xf32>
    %mul3A_424 = arith.constant -5.000000e-01 : f32
    %mul3A_425 = vector.broadcast %mul3A_424 : f32 to vector<256x256xf32>
    %mul3A_426 = arith.mulf %mul3A_425, %mul3A_423 : vector<256x256xf32>
    %mul3A_427 = arith.mulf %mul3A_426, %mul3A_423 : vector<256x256xf32>
    %exp3A_428 = math.exp %mul3A_427 : vector<256x256xf32>
    %mul3A_429 = arith.constant 0.398942292 : f32
    %mul3A_430 = arith.mulf %mul3A_429, %div3A_415 : f32
    %mul3A_431 = vector.broadcast %mul3A_430 : f32 to vector<256x256xf32>
    %mul3A_432 = arith.mulf %exp3A_428, %mul3A_431 : vector<256x256xf32>
    %swap3A_433 = arith.constant 9 : index
    %swap3A_434 = arith.constant 0 : index
    %swap3A_435 = arith.constant 0 : index
    %swap3A_436 = vector.load %arg18[%swap3A_433, %swap3A_434, %swap3A_435] : memref<16x256x256xf32, #tpu.memory_space<vmem>>, vector<1x256x256xf32>
    %swap3A_437 = vector.shape_cast %swap3A_436 : vector<1x256x256xf32> to vector<256x256xf32>
    %swap3A_438 = vector.shape_cast %mul3A_432 : vector<256x256xf32> to vector<1x256x256xf32>
    tpu.vector_store %arg18[%swap3A_433, %swap3A_434, %swap3A_435], %swap3A_438 {strides = array<i32>} : memref<16x256x256xf32, #tpu.memory_space<vmem>>, vector<1x256x256xf32>,
    %slice3A_439 = vector.extract_strided_slice %dot_general3A_14 {offsets = [0, 1280], sizes = [256, 128], strides = [1, 1]} : vector<256x2048xf32> to vector<256x128xf32>
    %slice3A_440 = vector.extract_strided_slice %dot_general3A_19 {offsets = [0, 1280], sizes = [256, 128], strides = [1, 1]} : vector<256x2048xf32> to vector<256x128xf32>
    %concatenate3A_441 = tpu.concatenate %slice3A_439, %slice3A_440 in 0 : vector<256x128xf32>, vector<256x128xf32> -> vector<512x128xf32>
    %convert_element_type3A_442 = arith.truncf %concatenate3A_441 : vector<512x128xf32> to vector<512x128xbf16>
    %dot_general3A_443 = arith.constant dense<0.000000e+00> : vector<256x512xf32>
    %dot_general3A_444 = tpu.matmul %convert_element_type3A_64, %convert_element_type3A_442, %dot_general3A_443 {dimension_numbers = #tpu.dot_dimension_numbers<[1], [1], [0], [0], [0, 0, 1, 0], [], []>, transpose_lhs_hint = false} : vector<256x128xbf16>, vector<512x128xbf16>, vector<256x512xf32> -> vector<256x512xf32>
    %slice3A_445 = vector.extract_strided_slice %dot_general3A_444 {offsets = [0, 0], sizes = [256, 256], strides = [1, 1]} : vector<256x512xf32> to vector<256x256xf32>
    %slice3A_446 = vector.extract_strided_slice %dot_general3A_444 {offsets = [0, 256], sizes = [256, 256], strides = [1, 1]} : vector<256x512xf32> to vector<256x256xf32>
    %get3A_447 = arith.constant 10 : index
    %get3A_448 = memref.load %arg15[%get3A_447] : memref<16xf32, #tpu.memory_space<smem>>
    %abs3A_449 = math.absf %get3A_448 : f32
    %add3A_450 = arith.constant 9.99999974E-6 : f32
    %add3A_451 = arith.addf %abs3A_449, %add3A_450 : f32
    %div3A_452 = arith.constant 1.000000e+00 : f32
    %div3A_453 = arith.divf %div3A_452, %add3A_451 : f32
    %mul3A_454 = arith.mulf %slice3A_445, %sqrt3A : vector<256x256xf32>
    %add3A_455 = arith.addf %mul3A_454, %slice3A_446 : vector<256x256xf32>
    %get3A_456 = arith.constant 10 : index
    %get3A_457 = memref.load %arg14[%get3A_456] : memref<16xf32, #tpu.memory_space<smem>>
    %sub3A_458 = vector.broadcast %get3A_457 : f32 to vector<256x256xf32>
    %sub3A_459 = arith.subf %add3A_455, %sub3A_458 : vector<256x256xf32>
    %mul3A_460 = vector.broadcast %div3A_453 : f32 to vector<256x256xf32>
    %mul3A_461 = arith.mulf %sub3A_459, %mul3A_460 : vector<256x256xf32>
    %mul3A_462 = arith.constant -5.000000e-01 : f32
    %mul3A_463 = vector.broadcast %mul3A_462 : f32 to vector<256x256xf32>
    %mul3A_464 = arith.mulf %mul3A_463, %mul3A_461 : vector<256x256xf32>
    %mul3A_465 = arith.mulf %mul3A_464, %mul3A_461 : vector<256x256xf32>
    %exp3A_466 = math.exp %mul3A_465 : vector<256x256xf32>
    %mul3A_467 = arith.constant 0.398942292 : f32
    %mul3A_468 = arith.mulf %mul3A_467, %div3A_453 : f32
    %mul3A_469 = vector.broadcast %mul3A_468 : f32 to vector<256x256xf32>
    %mul3A_470 = arith.mulf %exp3A_466, %mul3A_469 : vector<256x256xf32>
    %swap3A_471 = arith.constant 10 : index
    %swap3A_472 = arith.constant 0 : index
    %swap3A_473 = arith.constant 0 : index
    %swap3A_474 = vector.load %arg18[%swap3A_471, %swap3A_472, %swap3A_473] : memref<16x256x256xf32, #tpu.memory_space<vmem>>, vector<1x256x256xf32>
    %swap3A_475 = vector.shape_cast %swap3A_474 : vector<1x256x256xf32> to vector<256x256xf32>
    %swap3A_476 = vector.shape_cast %mul3A_470 : vector<256x256xf32> to vector<1x256x256xf32>
    tpu.vector_store %arg18[%swap3A_471, %swap3A_472, %swap3A_473], %swap3A_476 {strides = array<i32>} : memref<16x256x256xf32, #tpu.memory_space<vmem>>, vector<1x256x256xf32>,
    %slice3A_477 = vector.extract_strided_slice %dot_general3A_14 {offsets = [0, 1408], sizes = [256, 128], strides = [1, 1]} : vector<256x2048xf32> to vector<256x128xf32>
    %slice3A_478 = vector.extract_strided_slice %dot_general3A_19 {offsets = [0, 1408], sizes = [256, 128], strides = [1, 1]} : vector<256x2048xf32> to vector<256x128xf32>
    %concatenate3A_479 = tpu.concatenate %slice3A_477, %slice3A_478 in 0 : vector<256x128xf32>, vector<256x128xf32> -> vector<512x128xf32>
    %convert_element_type3A_480 = arith.truncf %concatenate3A_479 : vector<512x128xf32> to vector<512x128xbf16>
    %dot_general3A_481 = arith.constant dense<0.000000e+00> : vector<256x512xf32>
    %dot_general3A_482 = tpu.matmul %convert_element_type3A_64, %convert_element_type3A_480, %dot_general3A_481 {dimension_numbers = #tpu.dot_dimension_numbers<[1], [1], [0], [0], [0, 0, 1, 0], [], []>, transpose_lhs_hint = false} : vector<256x128xbf16>, vector<512x128xbf16>, vector<256x512xf32> -> vector<256x512xf32>
    %slice3A_483 = vector.extract_strided_slice %dot_general3A_482 {offsets = [0, 0], sizes = [256, 256], strides = [1, 1]} : vector<256x512xf32> to vector<256x256xf32>
    %slice3A_484 = vector.extract_strided_slice %dot_general3A_482 {offsets = [0, 256], sizes = [256, 256], strides = [1, 1]} : vector<256x512xf32> to vector<256x256xf32>
    %get3A_485 = arith.constant 11 : index
    %get3A_486 = memref.load %arg15[%get3A_485] : memref<16xf32, #tpu.memory_space<smem>>
    %abs3A_487 = math.absf %get3A_486 : f32
    %add3A_488 = arith.constant 9.99999974E-6 : f32
    %add3A_489 = arith.addf %abs3A_487, %add3A_488 : f32
    %div3A_490 = arith.constant 1.000000e+00 : f32
    %div3A_491 = arith.divf %div3A_490, %add3A_489 : f32
    %mul3A_492 = arith.mulf %slice3A_483, %sqrt3A : vector<256x256xf32>
    %add3A_493 = arith.addf %mul3A_492, %slice3A_484 : vector<256x256xf32>
    %get3A_494 = arith.constant 11 : index
    %get3A_495 = memref.load %arg14[%get3A_494] : memref<16xf32, #tpu.memory_space<smem>>
    %sub3A_496 = vector.broadcast %get3A_495 : f32 to vector<256x256xf32>
    %sub3A_497 = arith.subf %add3A_493, %sub3A_496 : vector<256x256xf32>
    %mul3A_498 = vector.broadcast %div3A_491 : f32 to vector<256x256xf32>
    %mul3A_499 = arith.mulf %sub3A_497, %mul3A_498 : vector<256x256xf32>
    %mul3A_500 = arith.constant -5.000000e-01 : f32
    %mul3A_501 = vector.broadcast %mul3A_500 : f32 to vector<256x256xf32>
    %mul3A_502 = arith.mulf %mul3A_501, %mul3A_499 : vector<256x256xf32>
    %mul3A_503 = arith.mulf %mul3A_502, %mul3A_499 : vector<256x256xf32>
    %exp3A_504 = math.exp %mul3A_503 : vector<256x256xf32>
    %mul3A_505 = arith.constant 0.398942292 : f32
    %mul3A_506 = arith.mulf %mul3A_505, %div3A_491 : f32
    %mul3A_507 = vector.broadcast %mul3A_506 : f32 to vector<256x256xf32>
    %mul3A_508 = arith.mulf %exp3A_504, %mul3A_507 : vector<256x256xf32>
    %swap3A_509 = arith.constant 11 : index
    %swap3A_510 = arith.constant 0 : index
    %swap3A_511 = arith.constant 0 : index
    %swap3A_512 = vector.load %arg18[%swap3A_509, %swap3A_510, %swap3A_511] : memref<16x256x256xf32, #tpu.memory_space<vmem>>, vector<1x256x256xf32>
    %swap3A_513 = vector.shape_cast %swap3A_512 : vector<1x256x256xf32> to vector<256x256xf32>
    %swap3A_514 = vector.shape_cast %mul3A_508 : vector<256x256xf32> to vector<1x256x256xf32>
    tpu.vector_store %arg18[%swap3A_509, %swap3A_510, %swap3A_511], %swap3A_514 {strides = array<i32>} : memref<16x256x256xf32, #tpu.memory_space<vmem>>, vector<1x256x256xf32>,
    %slice3A_515 = vector.extract_strided_slice %dot_general3A_14 {offsets = [0, 1536], sizes = [256, 128], strides = [1, 1]} : vector<256x2048xf32> to vector<256x128xf32>
    %slice3A_516 = vector.extract_strided_slice %dot_general3A_19 {offsets = [0, 1536], sizes = [256, 128], strides = [1, 1]} : vector<256x2048xf32> to vector<256x128xf32>
    %concatenate3A_517 = tpu.concatenate %slice3A_515, %slice3A_516 in 0 : vector<256x128xf32>, vector<256x128xf32> -> vector<512x128xf32>
    %convert_element_type3A_518 = arith.truncf %concatenate3A_517 : vector<512x128xf32> to vector<512x128xbf16>
    %dot_general3A_519 = arith.constant dense<0.000000e+00> : vector<256x512xf32>
    %dot_general3A_520 = tpu.matmul %convert_element_type3A_64, %convert_element_type3A_518, %dot_general3A_519 {dimension_numbers = #tpu.dot_dimension_numbers<[1], [1], [0], [0], [0, 0, 1, 0], [], []>, transpose_lhs_hint = false} : vector<256x128xbf16>, vector<512x128xbf16>, vector<256x512xf32> -> vector<256x512xf32>
    %slice3A_521 = vector.extract_strided_slice %dot_general3A_520 {offsets = [0, 0], sizes = [256, 256], strides = [1, 1]} : vector<256x512xf32> to vector<256x256xf32>
    %slice3A_522 = vector.extract_strided_slice %dot_general3A_520 {offsets = [0, 256], sizes = [256, 256], strides = [1, 1]} : vector<256x512xf32> to vector<256x256xf32>
    %get3A_523 = arith.constant 12 : index
    %get3A_524 = memref.load %arg15[%get3A_523] : memref<16xf32, #tpu.memory_space<smem>>
    %abs3A_525 = math.absf %get3A_524 : f32
    %add3A_526 = arith.constant 9.99999974E-6 : f32
    %add3A_527 = arith.addf %abs3A_525, %add3A_526 : f32
    %div3A_528 = arith.constant 1.000000e+00 : f32
    %div3A_529 = arith.divf %div3A_528, %add3A_527 : f32
    %mul3A_530 = arith.mulf %slice3A_521, %sqrt3A : vector<256x256xf32>
    %add3A_531 = arith.addf %mul3A_530, %slice3A_522 : vector<256x256xf32>
    %get3A_532 = arith.constant 12 : index
    %get3A_533 = memref.load %arg14[%get3A_532] : memref<16xf32, #tpu.memory_space<smem>>
    %sub3A_534 = vector.broadcast %get3A_533 : f32 to vector<256x256xf32>
    %sub3A_535 = arith.subf %add3A_531, %sub3A_534 : vector<256x256xf32>
    %mul3A_536 = vector.broadcast %div3A_529 : f32 to vector<256x256xf32>
    %mul3A_537 = arith.mulf %sub3A_535, %mul3A_536 : vector<256x256xf32>
    %mul3A_538 = arith.constant -5.000000e-01 : f32
    %mul3A_539 = vector.broadcast %mul3A_538 : f32 to vector<256x256xf32>
    %mul3A_540 = arith.mulf %mul3A_539, %mul3A_537 : vector<256x256xf32>
    %mul3A_541 = arith.mulf %mul3A_540, %mul3A_537 : vector<256x256xf32>
    %exp3A_542 = math.exp %mul3A_541 : vector<256x256xf32>
    %mul3A_543 = arith.constant 0.398942292 : f32
    %mul3A_544 = arith.mulf %mul3A_543, %div3A_529 : f32
    %mul3A_545 = vector.broadcast %mul3A_544 : f32 to vector<256x256xf32>
    %mul3A_546 = arith.mulf %exp3A_542, %mul3A_545 : vector<256x256xf32>
    %swap3A_547 = arith.constant 12 : index
    %swap3A_548 = arith.constant 0 : index
    %swap3A_549 = arith.constant 0 : index
    %swap3A_550 = vector.load %arg18[%swap3A_547, %swap3A_548, %swap3A_549] : memref<16x256x256xf32, #tpu.memory_space<vmem>>, vector<1x256x256xf32>
    %swap3A_551 = vector.shape_cast %swap3A_550 : vector<1x256x256xf32> to vector<256x256xf32>
    %swap3A_552 = vector.shape_cast %mul3A_546 : vector<256x256xf32> to vector<1x256x256xf32>
    tpu.vector_store %arg18[%swap3A_547, %swap3A_548, %swap3A_549], %swap3A_552 {strides = array<i32>} : memref<16x256x256xf32, #tpu.memory_space<vmem>>, vector<1x256x256xf32>,
    %slice3A_553 = vector.extract_strided_slice %dot_general3A_14 {offsets = [0, 1664], sizes = [256, 128], strides = [1, 1]} : vector<256x2048xf32> to vector<256x128xf32>
    %slice3A_554 = vector.extract_strided_slice %dot_general3A_19 {offsets = [0, 1664], sizes = [256, 128], strides = [1, 1]} : vector<256x2048xf32> to vector<256x128xf32>
    %concatenate3A_555 = tpu.concatenate %slice3A_553, %slice3A_554 in 0 : vector<256x128xf32>, vector<256x128xf32> -> vector<512x128xf32>
    %convert_element_type3A_556 = arith.truncf %concatenate3A_555 : vector<512x128xf32> to vector<512x128xbf16>
    %dot_general3A_557 = arith.constant dense<0.000000e+00> : vector<256x512xf32>
    %dot_general3A_558 = tpu.matmul %convert_element_type3A_64, %convert_element_type3A_556, %dot_general3A_557 {dimension_numbers = #tpu.dot_dimension_numbers<[1], [1], [0], [0], [0, 0, 1, 0], [], []>, transpose_lhs_hint = false} : vector<256x128xbf16>, vector<512x128xbf16>, vector<256x512xf32> -> vector<256x512xf32>
    %slice3A_559 = vector.extract_strided_slice %dot_general3A_558 {offsets = [0, 0], sizes = [256, 256], strides = [1, 1]} : vector<256x512xf32> to vector<256x256xf32>
    %slice3A_560 = vector.extract_strided_slice %dot_general3A_558 {offsets = [0, 256], sizes = [256, 256], strides = [1, 1]} : vector<256x512xf32> to vector<256x256xf32>
    %get3A_561 = arith.constant 13 : index
    %get3A_562 = memref.load %arg15[%get3A_561] : memref<16xf32, #tpu.memory_space<smem>>
    %abs3A_563 = math.absf %get3A_562 : f32
    %add3A_564 = arith.constant 9.99999974E-6 : f32
    %add3A_565 = arith.addf %abs3A_563, %add3A_564 : f32
    %div3A_566 = arith.constant 1.000000e+00 : f32
    %div3A_567 = arith.divf %div3A_566, %add3A_565 : f32
    %mul3A_568 = arith.mulf %slice3A_559, %sqrt3A : vector<256x256xf32>
    %add3A_569 = arith.addf %mul3A_568, %slice3A_560 : vector<256x256xf32>
    %get3A_570 = arith.constant 13 : index
    %get3A_571 = memref.load %arg14[%get3A_570] : memref<16xf32, #tpu.memory_space<smem>>
    %sub3A_572 = vector.broadcast %get3A_571 : f32 to vector<256x256xf32>
    %sub3A_573 = arith.subf %add3A_569, %sub3A_572 : vector<256x256xf32>
    %mul3A_574 = vector.broadcast %div3A_567 : f32 to vector<256x256xf32>
    %mul3A_575 = arith.mulf %sub3A_573, %mul3A_574 : vector<256x256xf32>
    %mul3A_576 = arith.constant -5.000000e-01 : f32
    %mul3A_577 = vector.broadcast %mul3A_576 : f32 to vector<256x256xf32>
    %mul3A_578 = arith.mulf %mul3A_577, %mul3A_575 : vector<256x256xf32>
    %mul3A_579 = arith.mulf %mul3A_578, %mul3A_575 : vector<256x256xf32>
    %exp3A_580 = math.exp %mul3A_579 : vector<256x256xf32>
    %mul3A_581 = arith.constant 0.398942292 : f32
    %mul3A_582 = arith.mulf %mul3A_581, %div3A_567 : f32
    %mul3A_583 = vector.broadcast %mul3A_582 : f32 to vector<256x256xf32>
    %mul3A_584 = arith.mulf %exp3A_580, %mul3A_583 : vector<256x256xf32>
    %swap3A_585 = arith.constant 13 : index
    %swap3A_586 = arith.constant 0 : index
    %swap3A_587 = arith.constant 0 : index
    %swap3A_588 = vector.load %arg18[%swap3A_585, %swap3A_586, %swap3A_587] : memref<16x256x256xf32, #tpu.memory_space<vmem>>, vector<1x256x256xf32>
    %swap3A_589 = vector.shape_cast %swap3A_588 : vector<1x256x256xf32> to vector<256x256xf32>
    %swap3A_590 = vector.shape_cast %mul3A_584 : vector<256x256xf32> to vector<1x256x256xf32>
    tpu.vector_store %arg18[%swap3A_585, %swap3A_586, %swap3A_587], %swap3A_590 {strides = array<i32>} : memref<16x256x256xf32, #tpu.memory_space<vmem>>, vector<1x256x256xf32>,
    %slice3A_591 = vector.extract_strided_slice %dot_general3A_14 {offsets = [0, 1792], sizes = [256, 128], strides = [1, 1]} : vector<256x2048xf32> to vector<256x128xf32>
    %slice3A_592 = vector.extract_strided_slice %dot_general3A_19 {offsets = [0, 1792], sizes = [256, 128], strides = [1, 1]} : vector<256x2048xf32> to vector<256x128xf32>
    %concatenate3A_593 = tpu.concatenate %slice3A_591, %slice3A_592 in 0 : vector<256x128xf32>, vector<256x128xf32> -> vector<512x128xf32>
    %convert_element_type3A_594 = arith.truncf %concatenate3A_593 : vector<512x128xf32> to vector<512x128xbf16>
    %dot_general3A_595 = arith.constant dense<0.000000e+00> : vector<256x512xf32>
    %dot_general3A_596 = tpu.matmul %convert_element_type3A_64, %convert_element_type3A_594, %dot_general3A_595 {dimension_numbers = #tpu.dot_dimension_numbers<[1], [1], [0], [0], [0, 0, 1, 0], [], []>, transpose_lhs_hint = false} : vector<256x128xbf16>, vector<512x128xbf16>, vector<256x512xf32> -> vector<256x512xf32>
    %slice3A_597 = vector.extract_strided_slice %dot_general3A_596 {offsets = [0, 0], sizes = [256, 256], strides = [1, 1]} : vector<256x512xf32> to vector<256x256xf32>
    %slice3A_598 = vector.extract_strided_slice %dot_general3A_596 {offsets = [0, 256], sizes = [256, 256], strides = [1, 1]} : vector<256x512xf32> to vector<256x256xf32>
    %get3A_599 = arith.constant 14 : index
    %get3A_600 = memref.load %arg15[%get3A_599] : memref<16xf32, #tpu.memory_space<smem>>
    %abs3A_601 = math.absf %get3A_600 : f32
    %add3A_602 = arith.constant 9.99999974E-6 : f32
    %add3A_603 = arith.addf %abs3A_601, %add3A_602 : f32
    %div3A_604 = arith.constant 1.000000e+00 : f32
    %div3A_605 = arith.divf %div3A_604, %add3A_603 : f32
    %mul3A_606 = arith.mulf %slice3A_597, %sqrt3A : vector<256x256xf32>
    %add3A_607 = arith.addf %mul3A_606, %slice3A_598 : vector<256x256xf32>
    %get3A_608 = arith.constant 14 : index
    %get3A_609 = memref.load %arg14[%get3A_608] : memref<16xf32, #tpu.memory_space<smem>>
    %sub3A_610 = vector.broadcast %get3A_609 : f32 to vector<256x256xf32>
    %sub3A_611 = arith.subf %add3A_607, %sub3A_610 : vector<256x256xf32>
    %mul3A_612 = vector.broadcast %div3A_605 : f32 to vector<256x256xf32>
    %mul3A_613 = arith.mulf %sub3A_611, %mul3A_612 : vector<256x256xf32>
    %mul3A_614 = arith.constant -5.000000e-01 : f32
    %mul3A_615 = vector.broadcast %mul3A_614 : f32 to vector<256x256xf32>
    %mul3A_616 = arith.mulf %mul3A_615, %mul3A_613 : vector<256x256xf32>
    %mul3A_617 = arith.mulf %mul3A_616, %mul3A_613 : vector<256x256xf32>
    %exp3A_618 = math.exp %mul3A_617 : vector<256x256xf32>
    %mul3A_619 = arith.constant 0.398942292 : f32
    %mul3A_620 = arith.mulf %mul3A_619, %div3A_605 : f32
    %mul3A_621 = vector.broadcast %mul3A_620 : f32 to vector<256x256xf32>
    %mul3A_622 = arith.mulf %exp3A_618, %mul3A_621 : vector<256x256xf32>
    %swap3A_623 = arith.constant 14 : index
    %swap3A_624 = arith.constant 0 : index
    %swap3A_625 = arith.constant 0 : index
    %swap3A_626 = vector.load %arg18[%swap3A_623, %swap3A_624, %swap3A_625] : memref<16x256x256xf32, #tpu.memory_space<vmem>>, vector<1x256x256xf32>
    %swap3A_627 = vector.shape_cast %swap3A_626 : vector<1x256x256xf32> to vector<256x256xf32>
    %swap3A_628 = vector.shape_cast %mul3A_622 : vector<256x256xf32> to vector<1x256x256xf32>
    tpu.vector_store %arg18[%swap3A_623, %swap3A_624, %swap3A_625], %swap3A_628 {strides = array<i32>} : memref<16x256x256xf32, #tpu.memory_space<vmem>>, vector<1x256x256xf32>,
    %slice3A_629 = vector.extract_strided_slice %dot_general3A_14 {offsets = [0, 1920], sizes = [256, 128], strides = [1, 1]} : vector<256x2048xf32> to vector<256x128xf32>
    %slice3A_630 = vector.extract_strided_slice %dot_general3A_19 {offsets = [0, 1920], sizes = [256, 128], strides = [1, 1]} : vector<256x2048xf32> to vector<256x128xf32>
    %concatenate3A_631 = tpu.concatenate %slice3A_629, %slice3A_630 in 0 : vector<256x128xf32>, vector<256x128xf32> -> vector<512x128xf32>
    %convert_element_type3A_632 = arith.truncf %concatenate3A_631 : vector<512x128xf32> to vector<512x128xbf16>
    %dot_general3A_633 = arith.constant dense<0.000000e+00> : vector<256x512xf32>
    %dot_general3A_634 = tpu.matmul %convert_element_type3A_64, %convert_element_type3A_632, %dot_general3A_633 {dimension_numbers = #tpu.dot_dimension_numbers<[1], [1], [0], [0], [0, 0, 1, 0], [], []>, transpose_lhs_hint = false} : vector<256x128xbf16>, vector<512x128xbf16>, vector<256x512xf32> -> vector<256x512xf32>
    %slice3A_635 = vector.extract_strided_slice %dot_general3A_634 {offsets = [0, 0], sizes = [256, 256], strides = [1, 1]} : vector<256x512xf32> to vector<256x256xf32>
    %slice3A_636 = vector.extract_strided_slice %dot_general3A_634 {offsets = [0, 256], sizes = [256, 256], strides = [1, 1]} : vector<256x512xf32> to vector<256x256xf32>
    %get3A_637 = arith.constant 15 : index
    %get3A_638 = memref.load %arg15[%get3A_637] : memref<16xf32, #tpu.memory_space<smem>>
    %abs3A_639 = math.absf %get3A_638 : f32
    %add3A_640 = arith.constant 9.99999974E-6 : f32
    %add3A_641 = arith.addf %abs3A_639, %add3A_640 : f32
    %div3A_642 = arith.constant 1.000000e+00 : f32
    %div3A_643 = arith.divf %div3A_642, %add3A_641 : f32
    %mul3A_644 = arith.mulf %slice3A_635, %sqrt3A : vector<256x256xf32>
    %add3A_645 = arith.addf %mul3A_644, %slice3A_636 : vector<256x256xf32>
    %get3A_646 = arith.constant 15 : index
    %get3A_647 = memref.load %arg14[%get3A_646] : memref<16xf32, #tpu.memory_space<smem>>
    %sub3A_648 = vector.broadcast %get3A_647 : f32 to vector<256x256xf32>
    %sub3A_649 = arith.subf %add3A_645, %sub3A_648 : vector<256x256xf32>
    %mul3A_650 = vector.broadcast %div3A_643 : f32 to vector<256x256xf32>
    %mul3A_651 = arith.mulf %sub3A_649, %mul3A_650 : vector<256x256xf32>
    %mul3A_652 = arith.constant -5.000000e-01 : f32
    %mul3A_653 = vector.broadcast %mul3A_652 : f32 to vector<256x256xf32>
    %mul3A_654 = arith.mulf %mul3A_653, %mul3A_651 : vector<256x256xf32>
    %mul3A_655 = arith.mulf %mul3A_654, %mul3A_651 : vector<256x256xf32>
    %exp3A_656 = math.exp %mul3A_655 : vector<256x256xf32>
    %mul3A_657 = arith.constant 0.398942292 : f32
    %mul3A_658 = arith.mulf %mul3A_657, %div3A_643 : f32
    %mul3A_659 = vector.broadcast %mul3A_658 : f32 to vector<256x256xf32>
    %mul3A_660 = arith.mulf %exp3A_656, %mul3A_659 : vector<256x256xf32>
    %swap3A_661 = arith.constant 15 : index
    %swap3A_662 = arith.constant 0 : index
    %swap3A_663 = arith.constant 0 : index
    %swap3A_664 = vector.load %arg18[%swap3A_661, %swap3A_662, %swap3A_663] : memref<16x256x256xf32, #tpu.memory_space<vmem>>, vector<1x256x256xf32>
    %swap3A_665 = vector.shape_cast %swap3A_664 : vector<1x256x256xf32> to vector<256x256xf32>
    %swap3A_666 = vector.shape_cast %mul3A_660 : vector<256x256xf32> to vector<1x256x256xf32>
    tpu.vector_store %arg18[%swap3A_661, %swap3A_662, %swap3A_663], %swap3A_666 {strides = array<i32>} : memref<16x256x256xf32, #tpu.memory_space<vmem>>, vector<1x256x256xf32>,
    %get3A_667 = arith.constant 0 : index
    %get3A_668 = arith.constant 0 : index
    %get3A_669 = arith.constant 0 : index
    %get3A_670 = vector.load %arg9[%get3A_667, %get3A_668, %get3A_669] : memref<1x256x256xi32, #tpu.memory_space<vmem>>, vector<1x256x256xi32>
    %get3A_671 = vector.shape_cast %get3A_670 : vector<1x256x256xi32> to vector<256x256xi32>
    %eq3A_672 = arith.constant 0 : i32
    %eq3A_673 = vector.broadcast %eq3A_672 : i32 to vector<1x256xi32>
    %eq3A_674 = arith.cmpi eq, %get3A_8, %eq3A_673 : vector<1x256xi32>
    %get3A_675 = arith.constant 0 : index
    %get3A_676 = arith.constant 0 : index
    %get3A_677 = vector.load %arg13[%get3A_675, %get3A_676] : memref<16x16xf32, #tpu.memory_space<vmem>>, vector<16x16xf32>
    %get3A_678 = arith.constant 0 : index
    %get3A_679 = arith.constant 0 : index
    %get3A_680 = arith.constant 0 : index
    %get3A_681 = vector.load %arg18[%get3A_678, %get3A_679, %get3A_680] : memref<16x256x256xf32, #tpu.memory_space<vmem>>, vector<16x256x256xf32>
    %dot_general3A_682 = arith.constant dense<0.000000e+00> : vector<16x256x256xf32>
    %dot_general3A_683 = tpu.matmul %get3A_677, %get3A_681, %dot_general3A_682 {dimension_numbers = #tpu.dot_dimension_numbers<[1], [0], [0], [1, 2], [0, 0, 1, 1, 1, 2], [], []>, transpose_lhs_hint = false} : vector<16x16xf32>, vector<16x256x256xf32>, vector<16x256x256xf32> -> vector<16x256x256xf32>
    %slice3A_684 = vector.extract_strided_slice %dot_general3A_683 {offsets = [0, 0, 0], sizes = [1, 256, 256], strides = [1, 1, 1]} : vector<16x256x256xf32> to vector<1x256x256xf32>
    %squeeze3A = vector.shape_cast %slice3A_684 : vector<1x256x256xf32> to vector<256x256xf32>
    %get3A_685 = arith.constant 0 : index
    %get3A_686 = memref.load %arg16[%get3A_685] : memref<16xf32, #tpu.memory_space<smem>>
    %add3A_687 = vector.broadcast %get3A_686 : f32 to vector<256x256xf32>
    %add3A_688 = arith.addf %squeeze3A, %add3A_687 : vector<256x256xf32>
    %get3A_689 = arith.constant 0 : index
    %get3A_690 = arith.constant 0 : index
    %get3A_691 = vector.load %arg12[%get3A_689, %get3A_690] : memref<16x32xf32, #tpu.memory_space<vmem>>, vector<1x32xf32>
    %broadcast_in_dim3A = vector.shape_cast %get3A_691 : vector<1x32xf32> to vector<1x32xf32>
    %broadcast_in_dim3A_692 = vector.broadcast %broadcast_in_dim3A : vector<1x32xf32> to vector<256x32xf32>
    %lt3A = arith.constant 0 : i32
    %lt3A_693 = vector.broadcast %lt3A : i32 to vector<256x256xi32>
    %lt3A_694 = arith.cmpi slt, %get3A_671, %lt3A_693 : vector<256x256xi32>
    %add3A_695 = arith.constant 32 : i32
    %add3A_696 = vector.broadcast %add3A_695 : i32 to vector<256x256xi32>
    %add3A_697 = arith.addi %get3A_671, %add3A_696 : vector<256x256xi32>
    %select_n3A = arith.select %lt3A_694, %add3A_697, %get3A_671 : vector<256x256xi1>, vector<256x256xi32>
    %reshape3A = vector.shape_cast %select_n3A : vector<256x256xi32> to vector<256x256x1xi32>
    %gather3A = vector.shape_cast %reshape3A : vector<256x256x1xi32> to vector<256x256xi32>
    %gather3A_698 = tpu.dynamic_gather %broadcast_in_dim3A_692[%gather3A] in [1] : vector<256x32xf32>, vector<256x256xi32> -> vector<256x256xf32>
    %add3A_699 = arith.addf %add3A_688, %gather3A_698 : vector<256x256xf32>
    %jit3A = arith.constant 0xFF800000 : f32
    %broadcast_in_dim3A_700 = vector.shape_cast %eq3A_674 : vector<1x256xi1> to vector<1x256xi1>
    %broadcast_in_dim3A_701 = vector.broadcast %broadcast_in_dim3A_700 : vector<1x256xi1> to vector<256x256xi1>
    %broadcast_in_dim3A_702 = vector.broadcast %jit3A : f32 to vector<256x256xf32>
    %select_n3A_703 = arith.select %broadcast_in_dim3A_701, %broadcast_in_dim3A_702, %add3A_699 : vector<256x256xi1>, vector<256x256xf32>
    %swap3A_704 = arith.constant 0 : index
    %swap3A_705 = arith.constant 0 : index
    %swap3A_706 = arith.constant 0 : index
    %swap3A_707 = arith.constant 0 : index
    %swap3A_708 = vector.load %arg17[%swap3A_704, %swap3A_705, %swap3A_706, %swap3A_707] : memref<1x16x256x256xf32, #tpu.memory_space<vmem>>, vector<1x1x256x256xf32>
    %swap3A_709 = vector.shape_cast %swap3A_708 : vector<1x1x256x256xf32> to vector<256x256xf32>
    %swap3A_710 = vector.shape_cast %select_n3A_703 : vector<256x256xf32> to vector<1x1x256x256xf32>
    tpu.vector_store %arg17[%swap3A_704, %swap3A_705, %swap3A_706, %swap3A_707], %swap3A_710 {strides = array<i32>} : memref<1x16x256x256xf32, #tpu.memory_space<vmem>>, vector<1x1x256x256xf32>,
    %slice3A_711 = vector.extract_strided_slice %dot_general3A_683 {offsets = [1, 0, 0], sizes = [1, 256, 256], strides = [1, 1, 1]} : vector<16x256x256xf32> to vector<1x256x256xf32>
    %squeeze3A_712 = vector.shape_cast %slice3A_711 : vector<1x256x256xf32> to vector<256x256xf32>
    %get3A_713 = arith.constant 1 : index
    %get3A_714 = memref.load %arg16[%get3A_713] : memref<16xf32, #tpu.memory_space<smem>>
    %add3A_715 = vector.broadcast %get3A_714 : f32 to vector<256x256xf32>
    %add3A_716 = arith.addf %squeeze3A_712, %add3A_715 : vector<256x256xf32>
    %get3A_717 = arith.constant 1 : index
    %get3A_718 = arith.constant 0 : index
    %get3A_719 = vector.load %arg12[%get3A_717, %get3A_718] : memref<16x32xf32, #tpu.memory_space<vmem>>, vector<1x32xf32>
    %broadcast_in_dim3A_720 = vector.shape_cast %get3A_719 : vector<1x32xf32> to vector<1x32xf32>
    %broadcast_in_dim3A_721 = vector.broadcast %broadcast_in_dim3A_720 : vector<1x32xf32> to vector<256x32xf32>
    %lt3A_722 = arith.constant 0 : i32
    %lt3A_723 = vector.broadcast %lt3A_722 : i32 to vector<256x256xi32>
    %lt3A_724 = arith.cmpi slt, %get3A_671, %lt3A_723 : vector<256x256xi32>
    %add3A_725 = arith.constant 32 : i32
    %add3A_726 = vector.broadcast %add3A_725 : i32 to vector<256x256xi32>
    %add3A_727 = arith.addi %get3A_671, %add3A_726 : vector<256x256xi32>
    %select_n3A_728 = arith.select %lt3A_724, %add3A_727, %get3A_671 : vector<256x256xi1>, vector<256x256xi32>
    %reshape3A_729 = vector.shape_cast %select_n3A_728 : vector<256x256xi32> to vector<256x256x1xi32>
    %gather3A_730 = vector.shape_cast %reshape3A_729 : vector<256x256x1xi32> to vector<256x256xi32>
    %gather3A_731 = tpu.dynamic_gather %broadcast_in_dim3A_721[%gather3A_730] in [1] : vector<256x32xf32>, vector<256x256xi32> -> vector<256x256xf32>
    %add3A_732 = arith.addf %add3A_716, %gather3A_731 : vector<256x256xf32>
    %jit3A_733 = arith.constant 0xFF800000 : f32
    %broadcast_in_dim3A_734 = vector.shape_cast %eq3A_674 : vector<1x256xi1> to vector<1x256xi1>
    %broadcast_in_dim3A_735 = vector.broadcast %broadcast_in_dim3A_734 : vector<1x256xi1> to vector<256x256xi1>
    %broadcast_in_dim3A_736 = vector.broadcast %jit3A_733 : f32 to vector<256x256xf32>
    %select_n3A_737 = arith.select %broadcast_in_dim3A_735, %broadcast_in_dim3A_736, %add3A_732 : vector<256x256xi1>, vector<256x256xf32>
    %swap3A_738 = arith.constant 0 : index
    %swap3A_739 = arith.constant 1 : index
    %swap3A_740 = arith.constant 0 : index
    %swap3A_741 = arith.constant 0 : index
    %swap3A_742 = vector.load %arg17[%swap3A_738, %swap3A_739, %swap3A_740, %swap3A_741] : memref<1x16x256x256xf32, #tpu.memory_space<vmem>>, vector<1x1x256x256xf32>
    %swap3A_743 = vector.shape_cast %swap3A_742 : vector<1x1x256x256xf32> to vector<256x256xf32>
    %swap3A_744 = vector.shape_cast %select_n3A_737 : vector<256x256xf32> to vector<1x1x256x256xf32>
    tpu.vector_store %arg17[%swap3A_738, %swap3A_739, %swap3A_740, %swap3A_741], %swap3A_744 {strides = array<i32>} : memref<1x16x256x256xf32, #tpu.memory_space<vmem>>, vector<1x1x256x256xf32>,
    %slice3A_745 = vector.extract_strided_slice %dot_general3A_683 {offsets = [2, 0, 0], sizes = [1, 256, 256], strides = [1, 1, 1]} : vector<16x256x256xf32> to vector<1x256x256xf32>
    %squeeze3A_746 = vector.shape_cast %slice3A_745 : vector<1x256x256xf32> to vector<256x256xf32>
    %get3A_747 = arith.constant 2 : index
    %get3A_748 = memref.load %arg16[%get3A_747] : memref<16xf32, #tpu.memory_space<smem>>
    %add3A_749 = vector.broadcast %get3A_748 : f32 to vector<256x256xf32>
    %add3A_750 = arith.addf %squeeze3A_746, %add3A_749 : vector<256x256xf32>
    %get3A_751 = arith.constant 2 : index
    %get3A_752 = arith.constant 0 : index
    %get3A_753 = vector.load %arg12[%get3A_751, %get3A_752] : memref<16x32xf32, #tpu.memory_space<vmem>>, vector<1x32xf32>
    %broadcast_in_dim3A_754 = vector.shape_cast %get3A_753 : vector<1x32xf32> to vector<1x32xf32>
    %broadcast_in_dim3A_755 = vector.broadcast %broadcast_in_dim3A_754 : vector<1x32xf32> to vector<256x32xf32>
    %lt3A_756 = arith.constant 0 : i32
    %lt3A_757 = vector.broadcast %lt3A_756 : i32 to vector<256x256xi32>
    %lt3A_758 = arith.cmpi slt, %get3A_671, %lt3A_757 : vector<256x256xi32>
    %add3A_759 = arith.constant 32 : i32
    %add3A_760 = vector.broadcast %add3A_759 : i32 to vector<256x256xi32>
    %add3A_761 = arith.addi %get3A_671, %add3A_760 : vector<256x256xi32>
    %select_n3A_762 = arith.select %lt3A_758, %add3A_761, %get3A_671 : vector<256x256xi1>, vector<256x256xi32>
    %reshape3A_763 = vector.shape_cast %select_n3A_762 : vector<256x256xi32> to vector<256x256x1xi32>
    %gather3A_764 = vector.shape_cast %reshape3A_763 : vector<256x256x1xi32> to vector<256x256xi32>
    %gather3A_765 = tpu.dynamic_gather %broadcast_in_dim3A_755[%gather3A_764] in [1] : vector<256x32xf32>, vector<256x256xi32> -> vector<256x256xf32>
    %add3A_766 = arith.addf %add3A_750, %gather3A_765 : vector<256x256xf32>
    %jit3A_767 = arith.constant 0xFF800000 : f32
    %broadcast_in_dim3A_768 = vector.shape_cast %eq3A_674 : vector<1x256xi1> to vector<1x256xi1>
    %broadcast_in_dim3A_769 = vector.broadcast %broadcast_in_dim3A_768 : vector<1x256xi1> to vector<256x256xi1>
    %broadcast_in_dim3A_770 = vector.broadcast %jit3A_767 : f32 to vector<256x256xf32>
    %select_n3A_771 = arith.select %broadcast_in_dim3A_769, %broadcast_in_dim3A_770, %add3A_766 : vector<256x256xi1>, vector<256x256xf32>
    %swap3A_772 = arith.constant 0 : index
    %swap3A_773 = arith.constant 2 : index
    %swap3A_774 = arith.constant 0 : index
    %swap3A_775 = arith.constant 0 : index
    %swap3A_776 = vector.load %arg17[%swap3A_772, %swap3A_773, %swap3A_774, %swap3A_775] : memref<1x16x256x256xf32, #tpu.memory_space<vmem>>, vector<1x1x256x256xf32>
    %swap3A_777 = vector.shape_cast %swap3A_776 : vector<1x1x256x256xf32> to vector<256x256xf32>
    %swap3A_778 = vector.shape_cast %select_n3A_771 : vector<256x256xf32> to vector<1x1x256x256xf32>
    tpu.vector_store %arg17[%swap3A_772, %swap3A_773, %swap3A_774, %swap3A_775], %swap3A_778 {strides = array<i32>} : memref<1x16x256x256xf32, #tpu.memory_space<vmem>>, vector<1x1x256x256xf32>,
    %slice3A_779 = vector.extract_strided_slice %dot_general3A_683 {offsets = [3, 0, 0], sizes = [1, 256, 256], strides = [1, 1, 1]} : vector<16x256x256xf32> to vector<1x256x256xf32>
    %squeeze3A_780 = vector.shape_cast %slice3A_779 : vector<1x256x256xf32> to vector<256x256xf32>
    %get3A_781 = arith.constant 3 : index
    %get3A_782 = memref.load %arg16[%get3A_781] : memref<16xf32, #tpu.memory_space<smem>>
    %add3A_783 = vector.broadcast %get3A_782 : f32 to vector<256x256xf32>
    %add3A_784 = arith.addf %squeeze3A_780, %add3A_783 : vector<256x256xf32>
    %get3A_785 = arith.constant 3 : index
    %get3A_786 = arith.constant 0 : index
    %get3A_787 = vector.load %arg12[%get3A_785, %get3A_786] : memref<16x32xf32, #tpu.memory_space<vmem>>, vector<1x32xf32>
    %broadcast_in_dim3A_788 = vector.shape_cast %get3A_787 : vector<1x32xf32> to vector<1x32xf32>
    %broadcast_in_dim3A_789 = vector.broadcast %broadcast_in_dim3A_788 : vector<1x32xf32> to vector<256x32xf32>
    %lt3A_790 = arith.constant 0 : i32
    %lt3A_791 = vector.broadcast %lt3A_790 : i32 to vector<256x256xi32>
    %lt3A_792 = arith.cmpi slt, %get3A_671, %lt3A_791 : vector<256x256xi32>
    %add3A_793 = arith.constant 32 : i32
    %add3A_794 = vector.broadcast %add3A_793 : i32 to vector<256x256xi32>
    %add3A_795 = arith.addi %get3A_671, %add3A_794 : vector<256x256xi32>
    %select_n3A_796 = arith.select %lt3A_792, %add3A_795, %get3A_671 : vector<256x256xi1>, vector<256x256xi32>
    %reshape3A_797 = vector.shape_cast %select_n3A_796 : vector<256x256xi32> to vector<256x256x1xi32>
    %gather3A_798 = vector.shape_cast %reshape3A_797 : vector<256x256x1xi32> to vector<256x256xi32>
    %gather3A_799 = tpu.dynamic_gather %broadcast_in_dim3A_789[%gather3A_798] in [1] : vector<256x32xf32>, vector<256x256xi32> -> vector<256x256xf32>
    %add3A_800 = arith.addf %add3A_784, %gather3A_799 : vector<256x256xf32>
    %jit3A_801 = arith.constant 0xFF800000 : f32
    %broadcast_in_dim3A_802 = vector.shape_cast %eq3A_674 : vector<1x256xi1> to vector<1x256xi1>
    %broadcast_in_dim3A_803 = vector.broadcast %broadcast_in_dim3A_802 : vector<1x256xi1> to vector<256x256xi1>
    %broadcast_in_dim3A_804 = vector.broadcast %jit3A_801 : f32 to vector<256x256xf32>
    %select_n3A_805 = arith.select %broadcast_in_dim3A_803, %broadcast_in_dim3A_804, %add3A_800 : vector<256x256xi1>, vector<256x256xf32>
    %swap3A_806 = arith.constant 0 : index
    %swap3A_807 = arith.constant 3 : index
    %swap3A_808 = arith.constant 0 : index
    %swap3A_809 = arith.constant 0 : index
    %swap3A_810 = vector.load %arg17[%swap3A_806, %swap3A_807, %swap3A_808, %swap3A_809] : memref<1x16x256x256xf32, #tpu.memory_space<vmem>>, vector<1x1x256x256xf32>
    %swap3A_811 = vector.shape_cast %swap3A_810 : vector<1x1x256x256xf32> to vector<256x256xf32>
    %swap3A_812 = vector.shape_cast %select_n3A_805 : vector<256x256xf32> to vector<1x1x256x256xf32>
    tpu.vector_store %arg17[%swap3A_806, %swap3A_807, %swap3A_808, %swap3A_809], %swap3A_812 {strides = array<i32>} : memref<1x16x256x256xf32, #tpu.memory_space<vmem>>, vector<1x1x256x256xf32>,
    %slice3A_813 = vector.extract_strided_slice %dot_general3A_683 {offsets = [4, 0, 0], sizes = [1, 256, 256], strides = [1, 1, 1]} : vector<16x256x256xf32> to vector<1x256x256xf32>
    %squeeze3A_814 = vector.shape_cast %slice3A_813 : vector<1x256x256xf32> to vector<256x256xf32>
    %get3A_815 = arith.constant 4 : index
    %get3A_816 = memref.load %arg16[%get3A_815] : memref<16xf32, #tpu.memory_space<smem>>
    %add3A_817 = vector.broadcast %get3A_816 : f32 to vector<256x256xf32>
    %add3A_818 = arith.addf %squeeze3A_814, %add3A_817 : vector<256x256xf32>
    %get3A_819 = arith.constant 4 : index
    %get3A_820 = arith.constant 0 : index
    %get3A_821 = vector.load %arg12[%get3A_819, %get3A_820] : memref<16x32xf32, #tpu.memory_space<vmem>>, vector<1x32xf32>
    %broadcast_in_dim3A_822 = vector.shape_cast %get3A_821 : vector<1x32xf32> to vector<1x32xf32>
    %broadcast_in_dim3A_823 = vector.broadcast %broadcast_in_dim3A_822 : vector<1x32xf32> to vector<256x32xf32>
    %lt3A_824 = arith.constant 0 : i32
    %lt3A_825 = vector.broadcast %lt3A_824 : i32 to vector<256x256xi32>
    %lt3A_826 = arith.cmpi slt, %get3A_671, %lt3A_825 : vector<256x256xi32>
    %add3A_827 = arith.constant 32 : i32
    %add3A_828 = vector.broadcast %add3A_827 : i32 to vector<256x256xi32>
    %add3A_829 = arith.addi %get3A_671, %add3A_828 : vector<256x256xi32>
    %select_n3A_830 = arith.select %lt3A_826, %add3A_829, %get3A_671 : vector<256x256xi1>, vector<256x256xi32>
    %reshape3A_831 = vector.shape_cast %select_n3A_830 : vector<256x256xi32> to vector<256x256x1xi32>
    %gather3A_832 = vector.shape_cast %reshape3A_831 : vector<256x256x1xi32> to vector<256x256xi32>
    %gather3A_833 = tpu.dynamic_gather %broadcast_in_dim3A_823[%gather3A_832] in [1] : vector<256x32xf32>, vector<256x256xi32> -> vector<256x256xf32>
    %add3A_834 = arith.addf %add3A_818, %gather3A_833 : vector<256x256xf32>
    %jit3A_835 = arith.constant 0xFF800000 : f32
    %broadcast_in_dim3A_836 = vector.shape_cast %eq3A_674 : vector<1x256xi1> to vector<1x256xi1>
    %broadcast_in_dim3A_837 = vector.broadcast %broadcast_in_dim3A_836 : vector<1x256xi1> to vector<256x256xi1>
    %broadcast_in_dim3A_838 = vector.broadcast %jit3A_835 : f32 to vector<256x256xf32>
    %select_n3A_839 = arith.select %broadcast_in_dim3A_837, %broadcast_in_dim3A_838, %add3A_834 : vector<256x256xi1>, vector<256x256xf32>
    %swap3A_840 = arith.constant 0 : index
    %swap3A_841 = arith.constant 4 : index
    %swap3A_842 = arith.constant 0 : index
    %swap3A_843 = arith.constant 0 : index
    %swap3A_844 = vector.load %arg17[%swap3A_840, %swap3A_841, %swap3A_842, %swap3A_843] : memref<1x16x256x256xf32, #tpu.memory_space<vmem>>, vector<1x1x256x256xf32>
    %swap3A_845 = vector.shape_cast %swap3A_844 : vector<1x1x256x256xf32> to vector<256x256xf32>
    %swap3A_846 = vector.shape_cast %select_n3A_839 : vector<256x256xf32> to vector<1x1x256x256xf32>
    tpu.vector_store %arg17[%swap3A_840, %swap3A_841, %swap3A_842, %swap3A_843], %swap3A_846 {strides = array<i32>} : memref<1x16x256x256xf32, #tpu.memory_space<vmem>>, vector<1x1x256x256xf32>,
    %slice3A_847 = vector.extract_strided_slice %dot_general3A_683 {offsets = [5, 0, 0], sizes = [1, 256, 256], strides = [1, 1, 1]} : vector<16x256x256xf32> to vector<1x256x256xf32>
    %squeeze3A_848 = vector.shape_cast %slice3A_847 : vector<1x256x256xf32> to vector<256x256xf32>
    %get3A_849 = arith.constant 5 : index
    %get3A_850 = memref.load %arg16[%get3A_849] : memref<16xf32, #tpu.memory_space<smem>>
    %add3A_851 = vector.broadcast %get3A_850 : f32 to vector<256x256xf32>
    %add3A_852 = arith.addf %squeeze3A_848, %add3A_851 : vector<256x256xf32>
    %get3A_853 = arith.constant 5 : index
    %get3A_854 = arith.constant 0 : index
    %get3A_855 = vector.load %arg12[%get3A_853, %get3A_854] : memref<16x32xf32, #tpu.memory_space<vmem>>, vector<1x32xf32>
    %broadcast_in_dim3A_856 = vector.shape_cast %get3A_855 : vector<1x32xf32> to vector<1x32xf32>
    %broadcast_in_dim3A_857 = vector.broadcast %broadcast_in_dim3A_856 : vector<1x32xf32> to vector<256x32xf32>
    %lt3A_858 = arith.constant 0 : i32
    %lt3A_859 = vector.broadcast %lt3A_858 : i32 to vector<256x256xi32>
    %lt3A_860 = arith.cmpi slt, %get3A_671, %lt3A_859 : vector<256x256xi32>
    %add3A_861 = arith.constant 32 : i32
    %add3A_862 = vector.broadcast %add3A_861 : i32 to vector<256x256xi32>
    %add3A_863 = arith.addi %get3A_671, %add3A_862 : vector<256x256xi32>
    %select_n3A_864 = arith.select %lt3A_860, %add3A_863, %get3A_671 : vector<256x256xi1>, vector<256x256xi32>
    %reshape3A_865 = vector.shape_cast %select_n3A_864 : vector<256x256xi32> to vector<256x256x1xi32>
    %gather3A_866 = vector.shape_cast %reshape3A_865 : vector<256x256x1xi32> to vector<256x256xi32>
    %gather3A_867 = tpu.dynamic_gather %broadcast_in_dim3A_857[%gather3A_866] in [1] : vector<256x32xf32>, vector<256x256xi32> -> vector<256x256xf32>
    %add3A_868 = arith.addf %add3A_852, %gather3A_867 : vector<256x256xf32>
    %jit3A_869 = arith.constant 0xFF800000 : f32
    %broadcast_in_dim3A_870 = vector.shape_cast %eq3A_674 : vector<1x256xi1> to vector<1x256xi1>
    %broadcast_in_dim3A_871 = vector.broadcast %broadcast_in_dim3A_870 : vector<1x256xi1> to vector<256x256xi1>
    %broadcast_in_dim3A_872 = vector.broadcast %jit3A_869 : f32 to vector<256x256xf32>
    %select_n3A_873 = arith.select %broadcast_in_dim3A_871, %broadcast_in_dim3A_872, %add3A_868 : vector<256x256xi1>, vector<256x256xf32>
    %swap3A_874 = arith.constant 0 : index
    %swap3A_875 = arith.constant 5 : index
    %swap3A_876 = arith.constant 0 : index
    %swap3A_877 = arith.constant 0 : index
    %swap3A_878 = vector.load %arg17[%swap3A_874, %swap3A_875, %swap3A_876, %swap3A_877] : memref<1x16x256x256xf32, #tpu.memory_space<vmem>>, vector<1x1x256x256xf32>
    %swap3A_879 = vector.shape_cast %swap3A_878 : vector<1x1x256x256xf32> to vector<256x256xf32>
    %swap3A_880 = vector.shape_cast %select_n3A_873 : vector<256x256xf32> to vector<1x1x256x256xf32>
    tpu.vector_store %arg17[%swap3A_874, %swap3A_875, %swap3A_876, %swap3A_877], %swap3A_880 {strides = array<i32>} : memref<1x16x256x256xf32, #tpu.memory_space<vmem>>, vector<1x1x256x256xf32>,
    %slice3A_881 = vector.extract_strided_slice %dot_general3A_683 {offsets = [6, 0, 0], sizes = [1, 256, 256], strides = [1, 1, 1]} : vector<16x256x256xf32> to vector<1x256x256xf32>
    %squeeze3A_882 = vector.shape_cast %slice3A_881 : vector<1x256x256xf32> to vector<256x256xf32>
    %get3A_883 = arith.constant 6 : index
    %get3A_884 = memref.load %arg16[%get3A_883] : memref<16xf32, #tpu.memory_space<smem>>
    %add3A_885 = vector.broadcast %get3A_884 : f32 to vector<256x256xf32>
    %add3A_886 = arith.addf %squeeze3A_882, %add3A_885 : vector<256x256xf32>
    %get3A_887 = arith.constant 6 : index
    %get3A_888 = arith.constant 0 : index
    %get3A_889 = vector.load %arg12[%get3A_887, %get3A_888] : memref<16x32xf32, #tpu.memory_space<vmem>>, vector<1x32xf32>
    %broadcast_in_dim3A_890 = vector.shape_cast %get3A_889 : vector<1x32xf32> to vector<1x32xf32>
    %broadcast_in_dim3A_891 = vector.broadcast %broadcast_in_dim3A_890 : vector<1x32xf32> to vector<256x32xf32>
    %lt3A_892 = arith.constant 0 : i32
    %lt3A_893 = vector.broadcast %lt3A_892 : i32 to vector<256x256xi32>
    %lt3A_894 = arith.cmpi slt, %get3A_671, %lt3A_893 : vector<256x256xi32>
    %add3A_895 = arith.constant 32 : i32
    %add3A_896 = vector.broadcast %add3A_895 : i32 to vector<256x256xi32>
    %add3A_897 = arith.addi %get3A_671, %add3A_896 : vector<256x256xi32>
    %select_n3A_898 = arith.select %lt3A_894, %add3A_897, %get3A_671 : vector<256x256xi1>, vector<256x256xi32>
    %reshape3A_899 = vector.shape_cast %select_n3A_898 : vector<256x256xi32> to vector<256x256x1xi32>
    %gather3A_900 = vector.shape_cast %reshape3A_899 : vector<256x256x1xi32> to vector<256x256xi32>
    %gather3A_901 = tpu.dynamic_gather %broadcast_in_dim3A_891[%gather3A_900] in [1] : vector<256x32xf32>, vector<256x256xi32> -> vector<256x256xf32>
    %add3A_902 = arith.addf %add3A_886, %gather3A_901 : vector<256x256xf32>
    %jit3A_903 = arith.constant 0xFF800000 : f32
    %broadcast_in_dim3A_904 = vector.shape_cast %eq3A_674 : vector<1x256xi1> to vector<1x256xi1>
    %broadcast_in_dim3A_905 = vector.broadcast %broadcast_in_dim3A_904 : vector<1x256xi1> to vector<256x256xi1>
    %broadcast_in_dim3A_906 = vector.broadcast %jit3A_903 : f32 to vector<256x256xf32>
    %select_n3A_907 = arith.select %broadcast_in_dim3A_905, %broadcast_in_dim3A_906, %add3A_902 : vector<256x256xi1>, vector<256x256xf32>
    %swap3A_908 = arith.constant 0 : index
    %swap3A_909 = arith.constant 6 : index
    %swap3A_910 = arith.constant 0 : index
    %swap3A_911 = arith.constant 0 : index
    %swap3A_912 = vector.load %arg17[%swap3A_908, %swap3A_909, %swap3A_910, %swap3A_911] : memref<1x16x256x256xf32, #tpu.memory_space<vmem>>, vector<1x1x256x256xf32>
    %swap3A_913 = vector.shape_cast %swap3A_912 : vector<1x1x256x256xf32> to vector<256x256xf32>
    %swap3A_914 = vector.shape_cast %select_n3A_907 : vector<256x256xf32> to vector<1x1x256x256xf32>
    tpu.vector_store %arg17[%swap3A_908, %swap3A_909, %swap3A_910, %swap3A_911], %swap3A_914 {strides = array<i32>} : memref<1x16x256x256xf32, #tpu.memory_space<vmem>>, vector<1x1x256x256xf32>,
    %slice3A_915 = vector.extract_strided_slice %dot_general3A_683 {offsets = [7, 0, 0], sizes = [1, 256, 256], strides = [1, 1, 1]} : vector<16x256x256xf32> to vector<1x256x256xf32>
    %squeeze3A_916 = vector.shape_cast %slice3A_915 : vector<1x256x256xf32> to vector<256x256xf32>
    %get3A_917 = arith.constant 7 : index
    %get3A_918 = memref.load %arg16[%get3A_917] : memref<16xf32, #tpu.memory_space<smem>>
    %add3A_919 = vector.broadcast %get3A_918 : f32 to vector<256x256xf32>
    %add3A_920 = arith.addf %squeeze3A_916, %add3A_919 : vector<256x256xf32>
    %get3A_921 = arith.constant 7 : index
    %get3A_922 = arith.constant 0 : index
    %get3A_923 = vector.load %arg12[%get3A_921, %get3A_922] : memref<16x32xf32, #tpu.memory_space<vmem>>, vector<1x32xf32>
    %broadcast_in_dim3A_924 = vector.shape_cast %get3A_923 : vector<1x32xf32> to vector<1x32xf32>
    %broadcast_in_dim3A_925 = vector.broadcast %broadcast_in_dim3A_924 : vector<1x32xf32> to vector<256x32xf32>
    %lt3A_926 = arith.constant 0 : i32
    %lt3A_927 = vector.broadcast %lt3A_926 : i32 to vector<256x256xi32>
    %lt3A_928 = arith.cmpi slt, %get3A_671, %lt3A_927 : vector<256x256xi32>
    %add3A_929 = arith.constant 32 : i32
    %add3A_930 = vector.broadcast %add3A_929 : i32 to vector<256x256xi32>
    %add3A_931 = arith.addi %get3A_671, %add3A_930 : vector<256x256xi32>
    %select_n3A_932 = arith.select %lt3A_928, %add3A_931, %get3A_671 : vector<256x256xi1>, vector<256x256xi32>
    %reshape3A_933 = vector.shape_cast %select_n3A_932 : vector<256x256xi32> to vector<256x256x1xi32>
    %gather3A_934 = vector.shape_cast %reshape3A_933 : vector<256x256x1xi32> to vector<256x256xi32>
    %gather3A_935 = tpu.dynamic_gather %broadcast_in_dim3A_925[%gather3A_934] in [1] : vector<256x32xf32>, vector<256x256xi32> -> vector<256x256xf32>
    %add3A_936 = arith.addf %add3A_920, %gather3A_935 : vector<256x256xf32>
    %jit3A_937 = arith.constant 0xFF800000 : f32
    %broadcast_in_dim3A_938 = vector.shape_cast %eq3A_674 : vector<1x256xi1> to vector<1x256xi1>
    %broadcast_in_dim3A_939 = vector.broadcast %broadcast_in_dim3A_938 : vector<1x256xi1> to vector<256x256xi1>
    %broadcast_in_dim3A_940 = vector.broadcast %jit3A_937 : f32 to vector<256x256xf32>
    %select_n3A_941 = arith.select %broadcast_in_dim3A_939, %broadcast_in_dim3A_940, %add3A_936 : vector<256x256xi1>, vector<256x256xf32>
    %swap3A_942 = arith.constant 0 : index
    %swap3A_943 = arith.constant 7 : index
    %swap3A_944 = arith.constant 0 : index
    %swap3A_945 = arith.constant 0 : index
    %swap3A_946 = vector.load %arg17[%swap3A_942, %swap3A_943, %swap3A_944, %swap3A_945] : memref<1x16x256x256xf32, #tpu.memory_space<vmem>>, vector<1x1x256x256xf32>
    %swap3A_947 = vector.shape_cast %swap3A_946 : vector<1x1x256x256xf32> to vector<256x256xf32>
    %swap3A_948 = vector.shape_cast %select_n3A_941 : vector<256x256xf32> to vector<1x1x256x256xf32>
    tpu.vector_store %arg17[%swap3A_942, %swap3A_943, %swap3A_944, %swap3A_945], %swap3A_948 {strides = array<i32>} : memref<1x16x256x256xf32, #tpu.memory_space<vmem>>, vector<1x1x256x256xf32>,
    %slice3A_949 = vector.extract_strided_slice %dot_general3A_683 {offsets = [8, 0, 0], sizes = [1, 256, 256], strides = [1, 1, 1]} : vector<16x256x256xf32> to vector<1x256x256xf32>
    %squeeze3A_950 = vector.shape_cast %slice3A_949 : vector<1x256x256xf32> to vector<256x256xf32>
    %get3A_951 = arith.constant 8 : index
    %get3A_952 = memref.load %arg16[%get3A_951] : memref<16xf32, #tpu.memory_space<smem>>
    %add3A_953 = vector.broadcast %get3A_952 : f32 to vector<256x256xf32>
    %add3A_954 = arith.addf %squeeze3A_950, %add3A_953 : vector<256x256xf32>
    %get3A_955 = arith.constant 8 : index
    %get3A_956 = arith.constant 0 : index
    %get3A_957 = vector.load %arg12[%get3A_955, %get3A_956] : memref<16x32xf32, #tpu.memory_space<vmem>>, vector<1x32xf32>
    %broadcast_in_dim3A_958 = vector.shape_cast %get3A_957 : vector<1x32xf32> to vector<1x32xf32>
    %broadcast_in_dim3A_959 = vector.broadcast %broadcast_in_dim3A_958 : vector<1x32xf32> to vector<256x32xf32>
    %lt3A_960 = arith.constant 0 : i32
    %lt3A_961 = vector.broadcast %lt3A_960 : i32 to vector<256x256xi32>
    %lt3A_962 = arith.cmpi slt, %get3A_671, %lt3A_961 : vector<256x256xi32>
    %add3A_963 = arith.constant 32 : i32
    %add3A_964 = vector.broadcast %add3A_963 : i32 to vector<256x256xi32>
    %add3A_965 = arith.addi %get3A_671, %add3A_964 : vector<256x256xi32>
    %select_n3A_966 = arith.select %lt3A_962, %add3A_965, %get3A_671 : vector<256x256xi1>, vector<256x256xi32>
    %reshape3A_967 = vector.shape_cast %select_n3A_966 : vector<256x256xi32> to vector<256x256x1xi32>
    %gather3A_968 = vector.shape_cast %reshape3A_967 : vector<256x256x1xi32> to vector<256x256xi32>
    %gather3A_969 = tpu.dynamic_gather %broadcast_in_dim3A_959[%gather3A_968] in [1] : vector<256x32xf32>, vector<256x256xi32> -> vector<256x256xf32>
    %add3A_970 = arith.addf %add3A_954, %gather3A_969 : vector<256x256xf32>
    %jit3A_971 = arith.constant 0xFF800000 : f32
    %broadcast_in_dim3A_972 = vector.shape_cast %eq3A_674 : vector<1x256xi1> to vector<1x256xi1>
    %broadcast_in_dim3A_973 = vector.broadcast %broadcast_in_dim3A_972 : vector<1x256xi1> to vector<256x256xi1>
    %broadcast_in_dim3A_974 = vector.broadcast %jit3A_971 : f32 to vector<256x256xf32>
    %select_n3A_975 = arith.select %broadcast_in_dim3A_973, %broadcast_in_dim3A_974, %add3A_970 : vector<256x256xi1>, vector<256x256xf32>
    %swap3A_976 = arith.constant 0 : index
    %swap3A_977 = arith.constant 8 : index
    %swap3A_978 = arith.constant 0 : index
    %swap3A_979 = arith.constant 0 : index
    %swap3A_980 = vector.load %arg17[%swap3A_976, %swap3A_977, %swap3A_978, %swap3A_979] : memref<1x16x256x256xf32, #tpu.memory_space<vmem>>, vector<1x1x256x256xf32>
    %swap3A_981 = vector.shape_cast %swap3A_980 : vector<1x1x256x256xf32> to vector<256x256xf32>
    %swap3A_982 = vector.shape_cast %select_n3A_975 : vector<256x256xf32> to vector<1x1x256x256xf32>
    tpu.vector_store %arg17[%swap3A_976, %swap3A_977, %swap3A_978, %swap3A_979], %swap3A_982 {strides = array<i32>} : memref<1x16x256x256xf32, #tpu.memory_space<vmem>>, vector<1x1x256x256xf32>,
    %slice3A_983 = vector.extract_strided_slice %dot_general3A_683 {offsets = [9, 0, 0], sizes = [1, 256, 256], strides = [1, 1, 1]} : vector<16x256x256xf32> to vector<1x256x256xf32>
    %squeeze3A_984 = vector.shape_cast %slice3A_983 : vector<1x256x256xf32> to vector<256x256xf32>
    %get3A_985 = arith.constant 9 : index
    %get3A_986 = memref.load %arg16[%get3A_985] : memref<16xf32, #tpu.memory_space<smem>>
    %add3A_987 = vector.broadcast %get3A_986 : f32 to vector<256x256xf32>
    %add3A_988 = arith.addf %squeeze3A_984, %add3A_987 : vector<256x256xf32>
    %get3A_989 = arith.constant 9 : index
    %get3A_990 = arith.constant 0 : index
    %get3A_991 = vector.load %arg12[%get3A_989, %get3A_990] : memref<16x32xf32, #tpu.memory_space<vmem>>, vector<1x32xf32>
    %broadcast_in_dim3A_992 = vector.shape_cast %get3A_991 : vector<1x32xf32> to vector<1x32xf32>
    %broadcast_in_dim3A_993 = vector.broadcast %broadcast_in_dim3A_992 : vector<1x32xf32> to vector<256x32xf32>
    %lt3A_994 = arith.constant 0 : i32
    %lt3A_995 = vector.broadcast %lt3A_994 : i32 to vector<256x256xi32>
    %lt3A_996 = arith.cmpi slt, %get3A_671, %lt3A_995 : vector<256x256xi32>
    %add3A_997 = arith.constant 32 : i32
    %add3A_998 = vector.broadcast %add3A_997 : i32 to vector<256x256xi32>
    %add3A_999 = arith.addi %get3A_671, %add3A_998 : vector<256x256xi32>
    %select_n3A_1000 = arith.select %lt3A_996, %add3A_999, %get3A_671 : vector<256x256xi1>, vector<256x256xi32>
    %reshape3A_1001 = vector.shape_cast %select_n3A_1000 : vector<256x256xi32> to vector<256x256x1xi32>
    %gather3A_1002 = vector.shape_cast %reshape3A_1001 : vector<256x256x1xi32> to vector<256x256xi32>
    %gather3A_1003 = tpu.dynamic_gather %broadcast_in_dim3A_993[%gather3A_1002] in [1] : vector<256x32xf32>, vector<256x256xi32> -> vector<256x256xf32>
    %add3A_1004 = arith.addf %add3A_988, %gather3A_1003 : vector<256x256xf32>
    %jit3A_1005 = arith.constant 0xFF800000 : f32
    %broadcast_in_dim3A_1006 = vector.shape_cast %eq3A_674 : vector<1x256xi1> to vector<1x256xi1>
    %broadcast_in_dim3A_1007 = vector.broadcast %broadcast_in_dim3A_1006 : vector<1x256xi1> to vector<256x256xi1>
    %broadcast_in_dim3A_1008 = vector.broadcast %jit3A_1005 : f32 to vector<256x256xf32>
    %select_n3A_1009 = arith.select %broadcast_in_dim3A_1007, %broadcast_in_dim3A_1008, %add3A_1004 : vector<256x256xi1>, vector<256x256xf32>
    %swap3A_1010 = arith.constant 0 : index
    %swap3A_1011 = arith.constant 9 : index
    %swap3A_1012 = arith.constant 0 : index
    %swap3A_1013 = arith.constant 0 : index
    %swap3A_1014 = vector.load %arg17[%swap3A_1010, %swap3A_1011, %swap3A_1012, %swap3A_1013] : memref<1x16x256x256xf32, #tpu.memory_space<vmem>>, vector<1x1x256x256xf32>
    %swap3A_1015 = vector.shape_cast %swap3A_1014 : vector<1x1x256x256xf32> to vector<256x256xf32>
    %swap3A_1016 = vector.shape_cast %select_n3A_1009 : vector<256x256xf32> to vector<1x1x256x256xf32>
    tpu.vector_store %arg17[%swap3A_1010, %swap3A_1011, %swap3A_1012, %swap3A_1013], %swap3A_1016 {strides = array<i32>} : memref<1x16x256x256xf32, #tpu.memory_space<vmem>>, vector<1x1x256x256xf32>,
    %slice3A_1017 = vector.extract_strided_slice %dot_general3A_683 {offsets = [10, 0, 0], sizes = [1, 256, 256], strides = [1, 1, 1]} : vector<16x256x256xf32> to vector<1x256x256xf32>
    %squeeze3A_1018 = vector.shape_cast %slice3A_1017 : vector<1x256x256xf32> to vector<256x256xf32>
    %get3A_1019 = arith.constant 10 : index
    %get3A_1020 = memref.load %arg16[%get3A_1019] : memref<16xf32, #tpu.memory_space<smem>>
    %add3A_1021 = vector.broadcast %get3A_1020 : f32 to vector<256x256xf32>
    %add3A_1022 = arith.addf %squeeze3A_1018, %add3A_1021 : vector<256x256xf32>
    %get3A_1023 = arith.constant 10 : index
    %get3A_1024 = arith.constant 0 : index
    %get3A_1025 = vector.load %arg12[%get3A_1023, %get3A_1024] : memref<16x32xf32, #tpu.memory_space<vmem>>, vector<1x32xf32>
    %broadcast_in_dim3A_1026 = vector.shape_cast %get3A_1025 : vector<1x32xf32> to vector<1x32xf32>
    %broadcast_in_dim3A_1027 = vector.broadcast %broadcast_in_dim3A_1026 : vector<1x32xf32> to vector<256x32xf32>
    %lt3A_1028 = arith.constant 0 : i32
    %lt3A_1029 = vector.broadcast %lt3A_1028 : i32 to vector<256x256xi32>
    %lt3A_1030 = arith.cmpi slt, %get3A_671, %lt3A_1029 : vector<256x256xi32>
    %add3A_1031 = arith.constant 32 : i32
    %add3A_1032 = vector.broadcast %add3A_1031 : i32 to vector<256x256xi32>
    %add3A_1033 = arith.addi %get3A_671, %add3A_1032 : vector<256x256xi32>
    %select_n3A_1034 = arith.select %lt3A_1030, %add3A_1033, %get3A_671 : vector<256x256xi1>, vector<256x256xi32>
    %reshape3A_1035 = vector.shape_cast %select_n3A_1034 : vector<256x256xi32> to vector<256x256x1xi32>
    %gather3A_1036 = vector.shape_cast %reshape3A_1035 : vector<256x256x1xi32> to vector<256x256xi32>
    %gather3A_1037 = tpu.dynamic_gather %broadcast_in_dim3A_1027[%gather3A_1036] in [1] : vector<256x32xf32>, vector<256x256xi32> -> vector<256x256xf32>
    %add3A_1038 = arith.addf %add3A_1022, %gather3A_1037 : vector<256x256xf32>
    %jit3A_1039 = arith.constant 0xFF800000 : f32
    %broadcast_in_dim3A_1040 = vector.shape_cast %eq3A_674 : vector<1x256xi1> to vector<1x256xi1>
    %broadcast_in_dim3A_1041 = vector.broadcast %broadcast_in_dim3A_1040 : vector<1x256xi1> to vector<256x256xi1>
    %broadcast_in_dim3A_1042 = vector.broadcast %jit3A_1039 : f32 to vector<256x256xf32>
    %select_n3A_1043 = arith.select %broadcast_in_dim3A_1041, %broadcast_in_dim3A_1042, %add3A_1038 : vector<256x256xi1>, vector<256x256xf32>
    %swap3A_1044 = arith.constant 0 : index
    %swap3A_1045 = arith.constant 10 : index
    %swap3A_1046 = arith.constant 0 : index
    %swap3A_1047 = arith.constant 0 : index
    %swap3A_1048 = vector.load %arg17[%swap3A_1044, %swap3A_1045, %swap3A_1046, %swap3A_1047] : memref<1x16x256x256xf32, #tpu.memory_space<vmem>>, vector<1x1x256x256xf32>
    %swap3A_1049 = vector.shape_cast %swap3A_1048 : vector<1x1x256x256xf32> to vector<256x256xf32>
    %swap3A_1050 = vector.shape_cast %select_n3A_1043 : vector<256x256xf32> to vector<1x1x256x256xf32>
    tpu.vector_store %arg17[%swap3A_1044, %swap3A_1045, %swap3A_1046, %swap3A_1047], %swap3A_1050 {strides = array<i32>} : memref<1x16x256x256xf32, #tpu.memory_space<vmem>>, vector<1x1x256x256xf32>,
    %slice3A_1051 = vector.extract_strided_slice %dot_general3A_683 {offsets = [11, 0, 0], sizes = [1, 256, 256], strides = [1, 1, 1]} : vector<16x256x256xf32> to vector<1x256x256xf32>
    %squeeze3A_1052 = vector.shape_cast %slice3A_1051 : vector<1x256x256xf32> to vector<256x256xf32>
    %get3A_1053 = arith.constant 11 : index
    %get3A_1054 = memref.load %arg16[%get3A_1053] : memref<16xf32, #tpu.memory_space<smem>>
    %add3A_1055 = vector.broadcast %get3A_1054 : f32 to vector<256x256xf32>
    %add3A_1056 = arith.addf %squeeze3A_1052, %add3A_1055 : vector<256x256xf32>
    %get3A_1057 = arith.constant 11 : index
    %get3A_1058 = arith.constant 0 : index
    %get3A_1059 = vector.load %arg12[%get3A_1057, %get3A_1058] : memref<16x32xf32, #tpu.memory_space<vmem>>, vector<1x32xf32>
    %broadcast_in_dim3A_1060 = vector.shape_cast %get3A_1059 : vector<1x32xf32> to vector<1x32xf32>
    %broadcast_in_dim3A_1061 = vector.broadcast %broadcast_in_dim3A_1060 : vector<1x32xf32> to vector<256x32xf32>
    %lt3A_1062 = arith.constant 0 : i32
    %lt3A_1063 = vector.broadcast %lt3A_1062 : i32 to vector<256x256xi32>
    %lt3A_1064 = arith.cmpi slt, %get3A_671, %lt3A_1063 : vector<256x256xi32>
    %add3A_1065 = arith.constant 32 : i32
    %add3A_1066 = vector.broadcast %add3A_1065 : i32 to vector<256x256xi32>
    %add3A_1067 = arith.addi %get3A_671, %add3A_1066 : vector<256x256xi32>
    %select_n3A_1068 = arith.select %lt3A_1064, %add3A_1067, %get3A_671 : vector<256x256xi1>, vector<256x256xi32>
    %reshape3A_1069 = vector.shape_cast %select_n3A_1068 : vector<256x256xi32> to vector<256x256x1xi32>
    %gather3A_1070 = vector.shape_cast %reshape3A_1069 : vector<256x256x1xi32> to vector<256x256xi32>
    %gather3A_1071 = tpu.dynamic_gather %broadcast_in_dim3A_1061[%gather3A_1070] in [1] : vector<256x32xf32>, vector<256x256xi32> -> vector<256x256xf32>
    %add3A_1072 = arith.addf %add3A_1056, %gather3A_1071 : vector<256x256xf32>
    %jit3A_1073 = arith.constant 0xFF800000 : f32
    %broadcast_in_dim3A_1074 = vector.shape_cast %eq3A_674 : vector<1x256xi1> to vector<1x256xi1>
    %broadcast_in_dim3A_1075 = vector.broadcast %broadcast_in_dim3A_1074 : vector<1x256xi1> to vector<256x256xi1>
    %broadcast_in_dim3A_1076 = vector.broadcast %jit3A_1073 : f32 to vector<256x256xf32>
    %select_n3A_1077 = arith.select %broadcast_in_dim3A_1075, %broadcast_in_dim3A_1076, %add3A_1072 : vector<256x256xi1>, vector<256x256xf32>
    %swap3A_1078 = arith.constant 0 : index
    %swap3A_1079 = arith.constant 11 : index
    %swap3A_1080 = arith.constant 0 : index
    %swap3A_1081 = arith.constant 0 : index
    %swap3A_1082 = vector.load %arg17[%swap3A_1078, %swap3A_1079, %swap3A_1080, %swap3A_1081] : memref<1x16x256x256xf32, #tpu.memory_space<vmem>>, vector<1x1x256x256xf32>
    %swap3A_1083 = vector.shape_cast %swap3A_1082 : vector<1x1x256x256xf32> to vector<256x256xf32>
    %swap3A_1084 = vector.shape_cast %select_n3A_1077 : vector<256x256xf32> to vector<1x1x256x256xf32>
    tpu.vector_store %arg17[%swap3A_1078, %swap3A_1079, %swap3A_1080, %swap3A_1081], %swap3A_1084 {strides = array<i32>} : memref<1x16x256x256xf32, #tpu.memory_space<vmem>>, vector<1x1x256x256xf32>,
    %slice3A_1085 = vector.extract_strided_slice %dot_general3A_683 {offsets = [12, 0, 0], sizes = [1, 256, 256], strides = [1, 1, 1]} : vector<16x256x256xf32> to vector<1x256x256xf32>
    %squeeze3A_1086 = vector.shape_cast %slice3A_1085 : vector<1x256x256xf32> to vector<256x256xf32>
    %get3A_1087 = arith.constant 12 : index
    %get3A_1088 = memref.load %arg16[%get3A_1087] : memref<16xf32, #tpu.memory_space<smem>>
    %add3A_1089 = vector.broadcast %get3A_1088 : f32 to vector<256x256xf32>
    %add3A_1090 = arith.addf %squeeze3A_1086, %add3A_1089 : vector<256x256xf32>
    %get3A_1091 = arith.constant 12 : index
    %get3A_1092 = arith.constant 0 : index
    %get3A_1093 = vector.load %arg12[%get3A_1091, %get3A_1092] : memref<16x32xf32, #tpu.memory_space<vmem>>, vector<1x32xf32>
    %broadcast_in_dim3A_1094 = vector.shape_cast %get3A_1093 : vector<1x32xf32> to vector<1x32xf32>
    %broadcast_in_dim3A_1095 = vector.broadcast %broadcast_in_dim3A_1094 : vector<1x32xf32> to vector<256x32xf32>
    %lt3A_1096 = arith.constant 0 : i32
    %lt3A_1097 = vector.broadcast %lt3A_1096 : i32 to vector<256x256xi32>
    %lt3A_1098 = arith.cmpi slt, %get3A_671, %lt3A_1097 : vector<256x256xi32>
    %add3A_1099 = arith.constant 32 : i32
    %add3A_1100 = vector.broadcast %add3A_1099 : i32 to vector<256x256xi32>
    %add3A_1101 = arith.addi %get3A_671, %add3A_1100 : vector<256x256xi32>
    %select_n3A_1102 = arith.select %lt3A_1098, %add3A_1101, %get3A_671 : vector<256x256xi1>, vector<256x256xi32>
    %reshape3A_1103 = vector.shape_cast %select_n3A_1102 : vector<256x256xi32> to vector<256x256x1xi32>
    %gather3A_1104 = vector.shape_cast %reshape3A_1103 : vector<256x256x1xi32> to vector<256x256xi32>
    %gather3A_1105 = tpu.dynamic_gather %broadcast_in_dim3A_1095[%gather3A_1104] in [1] : vector<256x32xf32>, vector<256x256xi32> -> vector<256x256xf32>
    %add3A_1106 = arith.addf %add3A_1090, %gather3A_1105 : vector<256x256xf32>
    %jit3A_1107 = arith.constant 0xFF800000 : f32
    %broadcast_in_dim3A_1108 = vector.shape_cast %eq3A_674 : vector<1x256xi1> to vector<1x256xi1>
    %broadcast_in_dim3A_1109 = vector.broadcast %broadcast_in_dim3A_1108 : vector<1x256xi1> to vector<256x256xi1>
    %broadcast_in_dim3A_1110 = vector.broadcast %jit3A_1107 : f32 to vector<256x256xf32>
    %select_n3A_1111 = arith.select %broadcast_in_dim3A_1109, %broadcast_in_dim3A_1110, %add3A_1106 : vector<256x256xi1>, vector<256x256xf32>
    %swap3A_1112 = arith.constant 0 : index
    %swap3A_1113 = arith.constant 12 : index
    %swap3A_1114 = arith.constant 0 : index
    %swap3A_1115 = arith.constant 0 : index
    %swap3A_1116 = vector.load %arg17[%swap3A_1112, %swap3A_1113, %swap3A_1114, %swap3A_1115] : memref<1x16x256x256xf32, #tpu.memory_space<vmem>>, vector<1x1x256x256xf32>
    %swap3A_1117 = vector.shape_cast %swap3A_1116 : vector<1x1x256x256xf32> to vector<256x256xf32>
    %swap3A_1118 = vector.shape_cast %select_n3A_1111 : vector<256x256xf32> to vector<1x1x256x256xf32>
    tpu.vector_store %arg17[%swap3A_1112, %swap3A_1113, %swap3A_1114, %swap3A_1115], %swap3A_1118 {strides = array<i32>} : memref<1x16x256x256xf32, #tpu.memory_space<vmem>>, vector<1x1x256x256xf32>,
    %slice3A_1119 = vector.extract_strided_slice %dot_general3A_683 {offsets = [13, 0, 0], sizes = [1, 256, 256], strides = [1, 1, 1]} : vector<16x256x256xf32> to vector<1x256x256xf32>
    %squeeze3A_1120 = vector.shape_cast %slice3A_1119 : vector<1x256x256xf32> to vector<256x256xf32>
    %get3A_1121 = arith.constant 13 : index
    %get3A_1122 = memref.load %arg16[%get3A_1121] : memref<16xf32, #tpu.memory_space<smem>>
    %add3A_1123 = vector.broadcast %get3A_1122 : f32 to vector<256x256xf32>
    %add3A_1124 = arith.addf %squeeze3A_1120, %add3A_1123 : vector<256x256xf32>
    %get3A_1125 = arith.constant 13 : index
    %get3A_1126 = arith.constant 0 : index
    %get3A_1127 = vector.load %arg12[%get3A_1125, %get3A_1126] : memref<16x32xf32, #tpu.memory_space<vmem>>, vector<1x32xf32>
    %broadcast_in_dim3A_1128 = vector.shape_cast %get3A_1127 : vector<1x32xf32> to vector<1x32xf32>
    %broadcast_in_dim3A_1129 = vector.broadcast %broadcast_in_dim3A_1128 : vector<1x32xf32> to vector<256x32xf32>
    %lt3A_1130 = arith.constant 0 : i32
    %lt3A_1131 = vector.broadcast %lt3A_1130 : i32 to vector<256x256xi32>
    %lt3A_1132 = arith.cmpi slt, %get3A_671, %lt3A_1131 : vector<256x256xi32>
    %add3A_1133 = arith.constant 32 : i32
    %add3A_1134 = vector.broadcast %add3A_1133 : i32 to vector<256x256xi32>
    %add3A_1135 = arith.addi %get3A_671, %add3A_1134 : vector<256x256xi32>
    %select_n3A_1136 = arith.select %lt3A_1132, %add3A_1135, %get3A_671 : vector<256x256xi1>, vector<256x256xi32>
    %reshape3A_1137 = vector.shape_cast %select_n3A_1136 : vector<256x256xi32> to vector<256x256x1xi32>
    %gather3A_1138 = vector.shape_cast %reshape3A_1137 : vector<256x256x1xi32> to vector<256x256xi32>
    %gather3A_1139 = tpu.dynamic_gather %broadcast_in_dim3A_1129[%gather3A_1138] in [1] : vector<256x32xf32>, vector<256x256xi32> -> vector<256x256xf32>
    %add3A_1140 = arith.addf %add3A_1124, %gather3A_1139 : vector<256x256xf32>
    %jit3A_1141 = arith.constant 0xFF800000 : f32
    %broadcast_in_dim3A_1142 = vector.shape_cast %eq3A_674 : vector<1x256xi1> to vector<1x256xi1>
    %broadcast_in_dim3A_1143 = vector.broadcast %broadcast_in_dim3A_1142 : vector<1x256xi1> to vector<256x256xi1>
    %broadcast_in_dim3A_1144 = vector.broadcast %jit3A_1141 : f32 to vector<256x256xf32>
    %select_n3A_1145 = arith.select %broadcast_in_dim3A_1143, %broadcast_in_dim3A_1144, %add3A_1140 : vector<256x256xi1>, vector<256x256xf32>
    %swap3A_1146 = arith.constant 0 : index
    %swap3A_1147 = arith.constant 13 : index
    %swap3A_1148 = arith.constant 0 : index
    %swap3A_1149 = arith.constant 0 : index
    %swap3A_1150 = vector.load %arg17[%swap3A_1146, %swap3A_1147, %swap3A_1148, %swap3A_1149] : memref<1x16x256x256xf32, #tpu.memory_space<vmem>>, vector<1x1x256x256xf32>
    %swap3A_1151 = vector.shape_cast %swap3A_1150 : vector<1x1x256x256xf32> to vector<256x256xf32>
    %swap3A_1152 = vector.shape_cast %select_n3A_1145 : vector<256x256xf32> to vector<1x1x256x256xf32>
    tpu.vector_store %arg17[%swap3A_1146, %swap3A_1147, %swap3A_1148, %swap3A_1149], %swap3A_1152 {strides = array<i32>} : memref<1x16x256x256xf32, #tpu.memory_space<vmem>>, vector<1x1x256x256xf32>,
    %slice3A_1153 = vector.extract_strided_slice %dot_general3A_683 {offsets = [14, 0, 0], sizes = [1, 256, 256], strides = [1, 1, 1]} : vector<16x256x256xf32> to vector<1x256x256xf32>
    %squeeze3A_1154 = vector.shape_cast %slice3A_1153 : vector<1x256x256xf32> to vector<256x256xf32>
    %get3A_1155 = arith.constant 14 : index
    %get3A_1156 = memref.load %arg16[%get3A_1155] : memref<16xf32, #tpu.memory_space<smem>>
    %add3A_1157 = vector.broadcast %get3A_1156 : f32 to vector<256x256xf32>
    %add3A_1158 = arith.addf %squeeze3A_1154, %add3A_1157 : vector<256x256xf32>
    %get3A_1159 = arith.constant 14 : index
    %get3A_1160 = arith.constant 0 : index
    %get3A_1161 = vector.load %arg12[%get3A_1159, %get3A_1160] : memref<16x32xf32, #tpu.memory_space<vmem>>, vector<1x32xf32>
    %broadcast_in_dim3A_1162 = vector.shape_cast %get3A_1161 : vector<1x32xf32> to vector<1x32xf32>
    %broadcast_in_dim3A_1163 = vector.broadcast %broadcast_in_dim3A_1162 : vector<1x32xf32> to vector<256x32xf32>
    %lt3A_1164 = arith.constant 0 : i32
    %lt3A_1165 = vector.broadcast %lt3A_1164 : i32 to vector<256x256xi32>
    %lt3A_1166 = arith.cmpi slt, %get3A_671, %lt3A_1165 : vector<256x256xi32>
    %add3A_1167 = arith.constant 32 : i32
    %add3A_1168 = vector.broadcast %add3A_1167 : i32 to vector<256x256xi32>
    %add3A_1169 = arith.addi %get3A_671, %add3A_1168 : vector<256x256xi32>
    %select_n3A_1170 = arith.select %lt3A_1166, %add3A_1169, %get3A_671 : vector<256x256xi1>, vector<256x256xi32>
    %reshape3A_1171 = vector.shape_cast %select_n3A_1170 : vector<256x256xi32> to vector<256x256x1xi32>
    %gather3A_1172 = vector.shape_cast %reshape3A_1171 : vector<256x256x1xi32> to vector<256x256xi32>
    %gather3A_1173 = tpu.dynamic_gather %broadcast_in_dim3A_1163[%gather3A_1172] in [1] : vector<256x32xf32>, vector<256x256xi32> -> vector<256x256xf32>
    %add3A_1174 = arith.addf %add3A_1158, %gather3A_1173 : vector<256x256xf32>
    %jit3A_1175 = arith.constant 0xFF800000 : f32
    %broadcast_in_dim3A_1176 = vector.shape_cast %eq3A_674 : vector<1x256xi1> to vector<1x256xi1>
    %broadcast_in_dim3A_1177 = vector.broadcast %broadcast_in_dim3A_1176 : vector<1x256xi1> to vector<256x256xi1>
    %broadcast_in_dim3A_1178 = vector.broadcast %jit3A_1175 : f32 to vector<256x256xf32>
    %select_n3A_1179 = arith.select %broadcast_in_dim3A_1177, %broadcast_in_dim3A_1178, %add3A_1174 : vector<256x256xi1>, vector<256x256xf32>
    %swap3A_1180 = arith.constant 0 : index
    %swap3A_1181 = arith.constant 14 : index
    %swap3A_1182 = arith.constant 0 : index
    %swap3A_1183 = arith.constant 0 : index
    %swap3A_1184 = vector.load %arg17[%swap3A_1180, %swap3A_1181, %swap3A_1182, %swap3A_1183] : memref<1x16x256x256xf32, #tpu.memory_space<vmem>>, vector<1x1x256x256xf32>
    %swap3A_1185 = vector.shape_cast %swap3A_1184 : vector<1x1x256x256xf32> to vector<256x256xf32>
    %swap3A_1186 = vector.shape_cast %select_n3A_1179 : vector<256x256xf32> to vector<1x1x256x256xf32>
    tpu.vector_store %arg17[%swap3A_1180, %swap3A_1181, %swap3A_1182, %swap3A_1183], %swap3A_1186 {strides = array<i32>} : memref<1x16x256x256xf32, #tpu.memory_space<vmem>>, vector<1x1x256x256xf32>,
    %slice3A_1187 = vector.extract_strided_slice %dot_general3A_683 {offsets = [15, 0, 0], sizes = [1, 256, 256], strides = [1, 1, 1]} : vector<16x256x256xf32> to vector<1x256x256xf32>
    %squeeze3A_1188 = vector.shape_cast %slice3A_1187 : vector<1x256x256xf32> to vector<256x256xf32>
    %get3A_1189 = arith.constant 15 : index
    %get3A_1190 = memref.load %arg16[%get3A_1189] : memref<16xf32, #tpu.memory_space<smem>>
    %add3A_1191 = vector.broadcast %get3A_1190 : f32 to vector<256x256xf32>
    %add3A_1192 = arith.addf %squeeze3A_1188, %add3A_1191 : vector<256x256xf32>
    %get3A_1193 = arith.constant 15 : index
    %get3A_1194 = arith.constant 0 : index
    %get3A_1195 = vector.load %arg12[%get3A_1193, %get3A_1194] : memref<16x32xf32, #tpu.memory_space<vmem>>, vector<1x32xf32>
    %broadcast_in_dim3A_1196 = vector.shape_cast %get3A_1195 : vector<1x32xf32> to vector<1x32xf32>
    %broadcast_in_dim3A_1197 = vector.broadcast %broadcast_in_dim3A_1196 : vector<1x32xf32> to vector<256x32xf32>
    %lt3A_1198 = arith.constant 0 : i32
    %lt3A_1199 = vector.broadcast %lt3A_1198 : i32 to vector<256x256xi32>
    %lt3A_1200 = arith.cmpi slt, %get3A_671, %lt3A_1199 : vector<256x256xi32>
    %add3A_1201 = arith.constant 32 : i32
    %add3A_1202 = vector.broadcast %add3A_1201 : i32 to vector<256x256xi32>
    %add3A_1203 = arith.addi %get3A_671, %add3A_1202 : vector<256x256xi32>
    %select_n3A_1204 = arith.select %lt3A_1200, %add3A_1203, %get3A_671 : vector<256x256xi1>, vector<256x256xi32>
    %reshape3A_1205 = vector.shape_cast %select_n3A_1204 : vector<256x256xi32> to vector<256x256x1xi32>
    %gather3A_1206 = vector.shape_cast %reshape3A_1205 : vector<256x256x1xi32> to vector<256x256xi32>
    %gather3A_1207 = tpu.dynamic_gather %broadcast_in_dim3A_1197[%gather3A_1206] in [1] : vector<256x32xf32>, vector<256x256xi32> -> vector<256x256xf32>
    %add3A_1208 = arith.addf %add3A_1192, %gather3A_1207 : vector<256x256xf32>
    %jit3A_1209 = arith.constant 0xFF800000 : f32
    %broadcast_in_dim3A_1210 = vector.shape_cast %eq3A_674 : vector<1x256xi1> to vector<1x256xi1>
    %broadcast_in_dim3A_1211 = vector.broadcast %broadcast_in_dim3A_1210 : vector<1x256xi1> to vector<256x256xi1>
    %broadcast_in_dim3A_1212 = vector.broadcast %jit3A_1209 : f32 to vector<256x256xf32>
    %select_n3A_1213 = arith.select %broadcast_in_dim3A_1211, %broadcast_in_dim3A_1212, %add3A_1208 : vector<256x256xi1>, vector<256x256xf32>
    %swap3A_1214 = arith.constant 0 : index
    %swap3A_1215 = arith.constant 15 : index
    %swap3A_1216 = arith.constant 0 : index
    %swap3A_1217 = arith.constant 0 : index
    %swap3A_1218 = vector.load %arg17[%swap3A_1214, %swap3A_1215, %swap3A_1216, %swap3A_1217] : memref<1x16x256x256xf32, #tpu.memory_space<vmem>>, vector<1x1x256x256xf32>
    %swap3A_1219 = vector.shape_cast %swap3A_1218 : vector<1x1x256x256xf32> to vector<256x256xf32>
    %swap3A_1220 = vector.shape_cast %select_n3A_1213 : vector<256x256xf32> to vector<1x1x256x256xf32>
    tpu.vector_store %arg17[%swap3A_1214, %swap3A_1215, %swap3A_1216, %swap3A_1217], %swap3A_1220 {strides = array<i32>} : memref<1x16x256x256xf32, #tpu.memory_space<vmem>>, vector<1x1x256x256xf32>,
    return
  }
  func.func @transform_0(%arg0: i32) -> (i32, i32, i32) {
    %c0_i32 = arith.constant 0 : i32
    %c0_i32_0 = arith.constant 0 : i32
    %c0_i32_1 = arith.constant 0 : i32
    return %arg0, %c0_i32, %c0_i32_0 : i32, i32, i32
  }
  func.func @transform_1(%arg0: i32) -> (i32, i32, i32) {
    %c0_i32 = arith.constant 0 : i32
    %c0_i32_0 = arith.constant 0 : i32
    %c0_i32_1 = arith.constant 0 : i32
    return %arg0, %c0_i32, %c0_i32_0 : i32, i32, i32
  }
  func.func @transform_2(%arg0: i32) -> (i32, i32, i32) {
    %c0_i32 = arith.constant 0 : i32
    %c0_i32_0 = arith.constant 0 : i32
    %c0_i32_1 = arith.constant 0 : i32
    return %arg0, %c0_i32, %c0_i32_0 : i32, i32, i32
  }
  func.func @transform_3(%arg0: i32) -> (i32, i32, i32) {
    %c0_i32 = arith.constant 0 : i32
    %c0_i32_0 = arith.constant 0 : i32
    %c0_i32_1 = arith.constant 0 : i32
    return %arg0, %c0_i32, %c0_i32_0 : i32, i32, i32
  }
  func.func @transform_4(%arg0: i32) -> (i32, i32, i32) {
    %c0_i32 = arith.constant 0 : i32
    %c0_i32_0 = arith.constant 0 : i32
    %c0_i32_1 = arith.constant 0 : i32
    return %arg0, %c0_i32, %c0_i32_0 : i32, i32, i32
  }
  func.func @transform_5(%arg0: i32) -> (i32, i32, i32) {
    %c0_i32 = arith.constant 0 : i32
    %c0_i32_0 = arith.constant 0 : i32
    %c0_i32_1 = arith.constant 0 : i32
    return %arg0, %c0_i32, %c0_i32_0 : i32, i32, i32
  }
  func.func @transform_6(%arg0: i32) -> (i32, i32, i32) {
    %c0_i32 = arith.constant 0 : i32
    %c0_i32_0 = arith.constant 0 : i32
    %c0_i32_1 = arith.constant 0 : i32
    return %arg0, %c0_i32, %c0_i32_0 : i32, i32, i32
  }
  func.func @transform_7(%arg0: i32) -> (i32, i32, i32) {
    %c0_i32 = arith.constant 0 : i32
    %c0_i32_0 = arith.constant 0 : i32
    %c0_i32_1 = arith.constant 0 : i32
    return %arg0, %c0_i32, %c0_i32_0 : i32, i32, i32
  }
  func.func @transform_8(%arg0: i32) -> (i32, i32, i32) {
    %c0_i32 = arith.constant 0 : i32
    %c0_i32_0 = arith.constant 0 : i32
    %c0_i32_1 = arith.constant 0 : i32
    return %arg0, %c0_i32, %c0_i32_0 : i32, i32, i32
  }
  func.func @transform_9(%arg0: i32) -> (i32, i32) {
    %c0_i32 = arith.constant 0 : i32
    %c0_i32_0 = arith.constant 0 : i32
    %c0_i32_1 = arith.constant 0 : i32
    return %c0_i32, %c0_i32_0 : i32, i32
  }
  func.func @transform_10(%arg0: i32) -> (i32, i32) {
    %c0_i32 = arith.constant 0 : i32
    %c0_i32_0 = arith.constant 0 : i32
    %c0_i32_1 = arith.constant 0 : i32
    return %c0_i32, %c0_i32_0 : i32, i32
  }
  func.func @transform_11(%arg0: i32) -> (i32, i32) {
    %c0_i32 = arith.constant 0 : i32
    %c0_i32_0 = arith.constant 0 : i32
    %c0_i32_1 = arith.constant 0 : i32
    return %c0_i32, %c0_i32_0 : i32, i32
  }
  func.func @transform_12(%arg0: i32) -> (i32, i32) {
    %c0_i32 = arith.constant 0 : i32
    %c0_i32_0 = arith.constant 0 : i32
    %c0_i32_1 = arith.constant 0 : i32
    return %c0_i32, %c0_i32_0 : i32, i32
  }
  func.func @transform_13(%arg0: i32) -> i32 {
    %c0_i32 = arith.constant 0 : i32
    %c0_i32_0 = arith.constant 0 : i32
    return %c0_i32 : i32
  }
  func.func @transform_14(%arg0: i32) -> i32 {
    %c0_i32 = arith.constant 0 : i32
    %c0_i32_0 = arith.constant 0 : i32
    return %c0_i32 : i32
  }
  func.func @transform_15(%arg0: i32) -> i32 {
    %c0_i32 = arith.constant 0 : i32
    %c0_i32_0 = arith.constant 0 : i32
    return %c0_i32 : i32
  }
  func.func @transform_16(%arg0: i32) -> (i32, i32, i32, i32) {
    %c0_i32 = arith.constant 0 : i32
    %c0_i32_0 = arith.constant 0 : i32
    %c0_i32_1 = arith.constant 0 : i32
    %c0_i32_2 = arith.constant 0 : i32
    return %arg0, %c0_i32, %c0_i32_0, %c0_i32_1 : i32, i32, i32, i32
  }
}

</mosaic_0001>

<sc_bundles>
// kernel: kernel.4.cloned.1.call-start
scs
__scs_entry_jumppad:
0x0: {  	(pc) =	sbr.rel $0x88, $3  }
0x1: {  	(tag) =	ssettag $0x0;
	lr =	simm.s32 $0x1  }
0x2: {  	[smem:$0x3F94] =	sst lr;
	_ =	strace $0xD0000000  }
0x3: {  	_ = 	snop  }
0x4: {  	_ = 	snop  }
0x5: {  	_ = 	snop  }
0x6: {  	_ = 	snop  }
0x7: {  	_ = 	snop  }
__scs_overlays_trampoline_lowered:
0x8: {  	[smem:$0x3FA3] =	sst s0  }
0x9: {  	[smem:$0x3FA4] =	sst s1  }
0xa: {  	[smem:$0x3FA5] =	sst s2  }
0xb: {  	[smem:$0x3FA6] =	sst s3  }
0xc: {  	[smem:$0x3FA7] =	sst s4  }
0xd: {  	[smem:$0x3FA8] =	sst s5  }
0xe: {  	[smem:$0x3FA9] =	sst s6  }
0xf: {  	[smem:$0x3FAA] =	sst s7  }
0x10: {  	[smem:$0x3FAB] =	sst s8  }
0x11: {  	[smem:$0x3FAC] =	sst s9;
	s0 =	simm.s32 @!p0 $0x0  }
0x12: {  	s1 =	sld [smem:$0x3F92];
	s0 =	simm.s32 @p0 $0x1  }
0x13: {  	[smem:$0x3FAD] =	sst s0;
	s0 =	simm.s32 @!p1 $0x0  }
0x14: {  	s2 =	sld [smem:$0x3F91];
	s0 =	simm.s32 @p1 $0x1  }
0x15: {  	[smem:$0x3FAE] =	sst s0;
	s0 =	simm.s32 @!p2 $0x0  }
0x16: {  	s3 =	sld [smem:$0x3FDB];
	s0 =	simm.s32 @p2 $0x1  }
0x17: {  	s4 =	simm.s32 $0x1BF5;
	[smem:$0x3FB0] =	sst s0  }
0x18: {  	s0 =	sld [smem:$0x3F93];
	_ =	swait.ge [sflag:s4], $0x0  }
0x19: {  	s7 =	sld [smem:$0x3F94]  }
0x1a: {  	s8 =	sadd.s32 $0xFFFFE003, lr  }
0x1b: {  	s9 =	sadd.s32 $0xFFFFFEF7, lr;
	s5 =	simm.s32 $0xFFFFFFFF;
	p2 =	slt.u32 s8, $0xFFFFF086  }
0x1c: {  	p1 =	slt.u32 s9, $0xF7A;
	s5 =	simm.s32 @!p2 $0x0  }
0x1d: {  	s5 =	simm.s32 @p1 $0x1;
	p0 =	seq.s32 s7, s2  }
0x1e: {  	s7 =	smul.u32 @!p0 $0xF7A, s2;
	p2 =	seq.s32 @!p0 s5, $0x0  }
0x1f: {  	s9 =	smul.u32 $0xF7A, s1;
	s8 =	simm.s32 @!p0 $0x1BF5;
	p2 =	por !p2, p0  }
0x20: {  	[sflag:s8] =	ssyncset.s32 @!p0 $0xFFFFF086;
	s6 =	sadd.s32 @!p0 s3, s7;
	s7 =	simm.s32 @!p0 $0x108  }
0x21: {  	s3 =	sadd.s32 s3, s9;
	s6 =	sadd.s32 @!p0 $0x88, s6;
	s7 =	simm.s32 @p2 $0x1082  }
0x22: {  	[simem:s7], [sflag:s8] =	dma.local @!p0 [hbm:s6], $0xF7A  }
0x23: {  	s9 =	sor.u32 $0xD0000000, s2;
	s6 =	simm.s32 $0x108;
	_ =	swait.ge @!p0 [sflag:s8], $0x0  }
0x24: {  	s3 =	sadd.s32 $0x88, s3;
	s6 =	simm.s32 @!p1 $0x1082;
	[sflag:s4] =	ssyncset.s32 $0xFFFFF086  }
0x25: {  	[simem:s6], [sflag:s4] =	dma.local [hbm:s3], $0xF7A  }
0x26: {  	[smem:$0x3F94] =	sst s1;
	(tag) =	ssettag s2;
	_ =	strace s9  }
0x27: {  	s1 =	sld [smem:$0x3FA4]  }
0x28: {  	s2 =	sld [smem:$0x3FA5]  }
0x29: {  	s4 =	sld [smem:$0x3FA7]  }
0x2a: {  	p0 =	seq.s32 s5, $0x0;
	s5 =	sld [smem:$0x3FA8]  }
0x2b: {  	s6 =	sld [smem:$0x3FA9]  }
0x2c: {  	s7 =	sld [smem:$0x3FAA]  }
0x2d: {  	s3 =	simm.s32 $0x108;
	s8 =	sld [smem:$0x3FAB]  }
0x2e: {  	s3 =	simm.s32 @!p0 $0x1082;
	s9 =	sld [smem:$0x3FAC]  }
0x2f: {  	lr =	sadd.s32 s0, s3;
	s0 =	sld [smem:$0x3FA3]  }
0x30: {  	s3 =	sld [smem:$0x3FA6]  }
0x31: {  	[smem:$0x3FAF] =	sst s10  }
0x32: {  	s10 =	sld [smem:$0x3FAD];
	_ =	sdelay $0x3  }
0x33: {  	p0 =	seq.s32 s10, $0x1;
	s10 =	sld [smem:$0x3FAF];
	_ =	sdelay $0x3  }
0x34: {  	[smem:$0x3FAF] =	sst s10  }
0x35: {  	s10 =	sld [smem:$0x3FAE];
	_ =	sdelay $0x3  }
0x36: {  	p1 =	seq.s32 s10, $0x1;
	s10 =	sld [smem:$0x3FAF];
	_ =	sdelay $0x3  }
0x37: {  	[smem:$0x3FAF] =	sst s10  }
0x38: {  	s10 =	sld [smem:$0x3FB0]  }
0x39: {  	_ = 	snop;
	(pc) =	sbr.ind lr, $3  }
0x3a: {  	_ = 	snop  }
0x3b: {  	_ = 	snop  }
0x3c: {  	p2 =	seq.s32 s10, $0x1;
	s10 =	sld [smem:$0x3FAF]  }
0x3d: {  	_ =	shalt  }
0x3e: {  	_ =	shalt  }
0x3f: {  	_ =	shalt  }
0x40: {  	_ =	shalt  }
0x41: {  	_ =	shalt  }
0x42: {  	_ =	shalt  }
0x43: {  	_ =	shalt  }
0x44: {  	_ =	shalt  }
0x45: {  	_ =	shalt  }
0x46: {  	_ =	shalt  }
0x47: {  	_ =	shalt  }
0x48: {  	_ =	shalt  }
0x49: {  	_ =	shalt  }
0x4a: {  	_ =	shalt  }
0x4b: {  	_ =	shalt  }
0x4c: {  	_ =	shalt  }
0x4d: {  	_ =	shalt  }
0x4e: {  	_ =	shalt  }
0x4f: {  	_ =	shalt  }
0x50: {  	_ =	shalt  }
0x51: {  	_ =	shalt  }
0x52: {  	_ =	shalt  }
0x53: {  	_ =	shalt  }
0x54: {  	_ =	shalt  }
0x55: {  	_ =	shalt  }
0x56: {  	_ =	shalt  }
0x57: {  	_ =	shalt  }
0x58: {  	_ =	shalt  }
0x59: {  	_ =	shalt  }
0x5a: {  	_ =	shalt  }
0x5b: {  	_ =	shalt  }
0x5c: {  	_ =	shalt  }
0x5d: {  	_ =	shalt  }
0x5e: {  	_ =	shalt  }
0x5f: {  	_ =	shalt  }
0x60: {  	_ =	shalt  }
0x61: {  	_ =	shalt  }
0x62: {  	_ =	shalt  }
0x63: {  	_ =	shalt  }
0x64: {  	_ =	shalt  }
0x65: {  	_ =	shalt  }
0x66: {  	_ =	shalt  }
0x67: {  	_ =	shalt  }
0x68: {  	_ =	shalt  }
0x69: {  	_ =	shalt  }
0x6a: {  	_ =	shalt  }
0x6b: {  	_ =	shalt  }
0x6c: {  	_ =	shalt  }
0x6d: {  	_ =	shalt  }
0x6e: {  	_ =	shalt  }
0x6f: {  	_ =	shalt  }
0x70: {  	_ =	shalt  }
0x71: {  	_ =	shalt  }
0x72: {  	_ =	shalt  }
0x73: {  	_ =	shalt  }
0x74: {  	_ =	shalt  }
0x75: {  	_ =	shalt  }
0x76: {  	_ =	shalt  }
0x77: {  	_ =	shalt  }
0x78: {  	_ =	shalt  }
0x79: {  	_ =	shalt  }
0x7a: {  	_ =	shalt  }
0x7b: {  	_ =	shalt  }
0x7c: {  	_ =	shalt  }
0x7d: {  	_ =	shalt  }
0x7e: {  	_ =	shalt  }
0x7f: {  	_ =	shalt  }
0x80: {  	_ =	shalt  }
0x81: {  	_ =	shalt  }
0x82: {  	_ =	shalt  }
0x83: {  	_ =	shalt  }
0x84: {  	_ =	shalt  }
0x85: {  	_ =	shalt  }
0x86: {  	_ =	shalt  }
0x87: {  	_ =	shalt  }
.Lfunc_end0:
.L_simem_size_0:
called_computation_lowered:
.L_overlay_start_0:
0x88: {  	s2 =	sld [smem:$0x3FD9]  }
0x89: {  	s3 =	sld [smem:$0x3FFE];
	_ =	sdelay $0x1  }
0x8a: {  	s1 =	srdreg.scid  }
0x8b: {  	s0 =	sand.u32 $0x1, s1  }
0x8c: {  	s14 =	sshll.u32 s0, $0xA;
	s2 =	sadd.s32 s3, s2  }
0x8d: {  	s2 =	sadd.s32 s2, s14  }
0x8e: {  	[smem:$0x3FBB] =	sst s2  }
0x8f: {  	_ = 	snop  }
0x90: {  	s2 =	sld [smem:$0x3FD0];
	_ =	sdelay $0x2  }
0x91: {  	s15 =	simm.s32 $0xA;
	s4 =	simm.s32 $0x10  }
0x92: {  	[smem:s4], [sflag:s15] =	dma.local [hbm:s2], $0x1  }
0x93: {  	_ =	swait.eq [sflag:s15], $0x1  }
0x94: {  	[sflag:s15] =	ssyncset.done $0x0  }
0x95: {  	[sflag:s15] =	ssyncadd.s32 $0xFFFFFFFF  }
0x96: {  	s16 =	sld [smem:$0x10];
	(tm) =	ssettm $0x1  }
0x97: {  	s17 =	sld [smem:$0x3FFB];
	_ =	sdelay $0x3  }
0x98: {  	_ =	strace s17  }
0x99: {  	s3 =	sld [smem:$0x3FFC];
	_ =	sdelay $0x3  }
0x9a: {  	_ =	strace s3  }
0x9b: {  	s3 =	sld [smem:$0x3FFD];
	_ =	sdelay $0x3  }
0x9c: {  	_ =	strace s3  }
0x9d: {  	_ =	strace $0x8FFFFFFF  }
0x9e: {  	s18 =	sld [smem:$0x3FDB];
	_ =	sdelay $0x1  }
0x9f: {  	s19 =	simm.s32 $_scs_section_size  }
0xa0: {  	s5 =	simm.s32 $_size__tile_overlayer_lowered;
	s6 =	simm.s32 $_tile_overlayer_lowered  }
0xa1: {  	s22 =	simm.s32 $0x1BFF;
	s21 =	sshll.u32 s6, $0x1;
	s3 =	sadd.s32 s19, s18  }
0xa2: {  	s7 =	simm.s32 $0x0;
	s20 =	sshll.u32 s5, $0x1;
	s5 =	sadd.s32 s21, s3  }
0xa3: {  	[timem:s7], [sflag:s22] =	dma.local [hbm:s5], s20  }
0xa4: {  	_ =	swait.ge [sflag:s22], s20  }
0xa5: {  	s4 =	ssub.s32 $0x0, s20;
	[sflag:s22] =	ssyncset.done $0x0  }
0xa6: {  	[sflag:s22] =	ssyncadd.s32 s4;
	_ =	sdelay $0x1  }
0xa7: {  	s23 =	simm.s32 $0x1B8B  }
0xa8: {  	_ =	swait.ge [sflag:s23], $0x1  }
0xa9: {  	[sflag:s23] =	ssyncset.done $0x0  }
0xaa: {  	s25 =	simm.s32 $0x1B8E;
	s24 =	sld [smem:$0x3FFE];
	[sflag:s23] =	ssyncadd.s32 $0xFFFFFFFF  }
0xab: {  	s26 =	simm.s32 $execute0_lowered;
	[smem:$0x3FD2] =	sst s25  }
0xac: {  	s5 =	sshll.u32 s26, $0x1;
	_ =	strace $0x80000046;
	[dreg:$0x1] =	wrdreg $0xFFFFFFFF  }
0xad: {  	s28 =	simm.s32 $_size_execute0_lowered;
	s3 =	sadd.s32 s3, s5;
	[dreg:$0x0] =	wrdreg $0x0  }
0xae: {  	s5 =	sshll.u32 s28, $0x1;
	[dreg:$0x2] =	wrdreg s3  }
0xaf: {  	[dreg:$0x3] =	wrdreg s5  }
0xb0: {  	[dreg:$0x4] =	wrdreg $0xC0  }
0xb1: {  	_ =	task [dreg:s7], $0x5FFFF  }
0xb2: {  	[dreg:$0x1] =	wrdreg $0xFFFFFFFF  }
0xb3: {  	[dreg:$0x0] =	wrdreg $0x60  }
0xb4: {  	[dreg:$0x2] =	wrdreg s24  }
0xb5: {  	[dreg:$0x3] =	wrdreg s16  }
0xb6: {  	[dreg:$0x4] =	wrdreg $0x9  }
0xb7: {  	_ =	task.clear_ibuf [dreg:s7], $0x5FFFF;
	_ =	strace $0x90000046  }
0xb8: {  	s29 =	simm.s32 $0x9;
	_ =	strace $0x80000048  }
0xb9: {  	_ =	swait.ge [sflag:s29], $0x1  }
0xba: {  	[sflag:s29] =	ssyncadd.s32 $0xFFFFFFFF  }
0xbb: {  	_ =	strace $0x90000048  }
0xbc: {  	_ =	sfence  }
0xbd: {  	s30 =	sld [smem:$0x0];
	_ =	sdelay $0x2  }
0xbe: {  	s31 =	sshll.u32 s1, $0xD;
	s1 =	sshrl.u32 s1, $0x2  }
0xbf: {  	s3 =	sand.u32 $0x4000, s31;
	s1 =	sadd.s32 s1, s30  }
0xc0: {  	s0 =	sor.u32 s3, s0;
	s1 =	sshll.u32 s1, $0x11  }
0xc1: {  	s0 =	sor.u32 s1, s0  }
0xc2: {  	s0 =	sadd.s32 $0x8F2B, s0  }
0xc3: {  	[sflag:s0] =	ssyncadd.remote.s32 $0x1  }
0xc4: {  	_ =	sfence.sel $0xFFFF  }
0xc5: {  	[dreg:$0x0] =	wrdreg $0xFFFFFFFF;
	(pc) =	sbr.abs _section_cstart, $3  }
0xc6: {  	[dreg:$0x1] =	wrdreg $0xFFFFFFFF  }
0xc7: {  	_ =	task.clear_ibuf [dreg:s7], $0x2FFFF;
	_ =	strace $0x9FFFFFFF  }
0xc8: {  	(tm) =	ssettm $0x7FFFFFFF  }
0xc9: {  	_ =	shalt  }
tec
execute0_lowered:
.L_overlay_start_1:
0x0: {  	(tag) =	ssettag $0x1  }
0x1: {  	s0 =	srdreg.scid  }
0x2: {  	s1 =	rddreg [dreg:$0x0];
	s2 =	stileid.u32  }
0x3: {  	s4 =	rddreg [dreg:$0x1];
	s15 =	simm.s32 $0x1;
	s17 =	simm.s32 $0x80  }
0x4: {  	s18 =	simm.s32 $0x980;
	s19 =	simm.s32 $0x1180;
	s20 =	simm.s32 $0x1980  }
0x5: {  	s21 =	simm.s32 $0x2180;
	s28 =	simm.s32 $0x5180;
	s29 =	simm.s32 $0x5980  }
0x6: {  	s30 =	simm.s32 $0x6180;
	s31 =	simm.s32 $0x6980;
	s10 =	simm.s32 $0x9180  }
0x7: {  	s11 =	simm.s32 $0x9980;
	s12 =	simm.s32 $0xA180;
	s13 =	simm.s32 $0xA980  }
0x8: {  	s14 =	simm.s32 $0xB180;
	s0 =	sand.u32 $0x1, s0;
	s3 =	sshll.u32 s2, $0x9  }
0x9: {  	s2 =	simm.s32 $0x0;
	s6 =	sadd.s32 $0x9C00, s1;
	s9 =	sadd.s32 $0xA000, s1  }
0xa: {  	s5 =	sshll.u32 s0, $0x8;
	[smem:$0x7FF] =	sst s2;
	s0 =	ssub.s32 $0x2, s0  }
0xb: {  	s5 =	sor.u32 s5, s3;
	_ =	strace $0x80000047;
	s3 =	sadd.s32 $0x1C00, s1  }
0xc: {  	s26 =	sshrl.u32 s0, $0x1;
	s7 =	sshrl.u32 s5, $0x3;
	s22 =	sshll.u32 s5, $0x6  }
0xd: {  	s5 =	sor.u32 $0x80, s5;
	s0 =	ssub.s32 s0, s26;
	s8 =	sadd.s32 s6, s7  }
0xe: {  	s26 =	simm.s32 $0x4980;
	s7 =	sadd.s32 s9, s7;
	[dreg:$0x3] =	wrdreg s8  }
0xf: {  	s23 =	sadd.s32 s4, s22;
	s24 =	sshrl.u32 s5, $0x3;
	[dreg:$0x4] =	wrdreg s7  }
0x10: {  	s5 =	sshll.u32 s5, $0x6;
	s22 =	simm.s32 $0x2980;
	[dreg:$0x5] =	wrdreg s23  }
0x11: {  	s6 =	sadd.s32 s6, s24;
	s25 =	sadd.s32 s9, s24;
	s5 =	sadd.s32 s4, s5  }
0x12: {  	s4 =	sadd.s32 $0x1D00, s1;
	s23 =	simm.s32 $0x3180;
	[dreg:$0x6] =	wrdreg s6  }
0x13: {  	v2 =	vlaneseq.u32;
	s24 =	simm.s32 $0x3980;
	s9 =	simm.s32 $0x8980;
	[dreg:$0x7] =	wrdreg s25  }
0x14: {  	vm0 =	vmmov $0xffff;
	v1 =	vshrl.u32 v2, $0x3;
	s8 =	simm.s32 $0xB980;
	[dreg:$0x8] =	wrdreg s5;
	s5 =	smax.u32 s0, $0x1  }
0x15: {  	v0 =	vand.u32 $0x7, v2;
	v2 =	vor.u32 $0x8, v2;
	v1 =	vmul.u32 $0x8, v1;
	s6 =	simm.s32 $0x2;
	s0 =	simm.s32 $0x180;
	s25 =	simm.s32 $0x4180  }
.LBB2_1:
0x16: {  	s16 =	rddreg [dreg:$0x3]  }
0x17: {  	[tilespmem:s2], [sflag:$0x2] =	stream.linear.gather [hbm4b:s16+s2], $0x80, $0x38;
	[tilespmem:$0x10180] =	vst v63  }
0x18: {  	_ =	swait.ge [sflag:s6], $0x80  }
0x19: {  	[sflag:s6] =	ssyncset.done $0x0  }
0x1a: {  	s7 =	rddreg [dreg:$0x4];
	[sflag:s6] =	ssyncadd.s32 $0xFFFFFF80  }
0x1b: {  	[tilespmem:s17], [sflag:$0x2] =	stream.linear.gather [hbm4b:s7+s2], $0x80, $0x38;
	[tilespmem:$0x10180] =	vst v63  }
0x1c: {  	_ =	swait.ge [sflag:s6], $0x80  }
0x1d: {  	[sflag:s6] =	ssyncset.done $0x0  }
0x1e: {  	[sflag:s6] =	ssyncadd.s32 $0xFFFFFF80  }
0x1f: {  	v3 =	vld [tilespmem:$0x0]  }
0x20: {  	v4 =	vld [tilespmem:$0x80]  }
0x21: {  	v5 =	vld [tilespmem:$0x10]  }
0x22: {  	v6 =	vld [tilespmem:$0x90]  }
0x23: {  	v7 =	vld [tilespmem:$0x20]  }
0x24: {  	v8 =	vld [tilespmem:$0xA0]  }
0x25: {  	v9 =	vld [tilespmem:$0x30]  }
0x26: {  	v10 =	vld [tilespmem:$0xB0]  }
0x27: {  	v11 =	vld [tilespmem:$0x40]  }
0x28: {  	v12 =	vld [tilespmem:$0xC0]  }
0x29: {  	v13 =	vld [tilespmem:$0x50];
	v3 =	vshll.u32 v3, $0x2  }
0x2a: {  	v60 =	vld [tilespmem:$0xD0];
	v3 =	vadd.s32 v4, v3  }
0x2b: {  	v14 =	vld [tilespmem:$0x60];
	v15 =	vshll.u32 v3, $0x2  }
0x2c: {  	v16 =	vld [tilespmem:$0xE0];
	v5 =	vshll.u32 v5, $0x2;
	v17 =	vand.u32 $0x7, v3;
	v15 =	vand.u32 $0xFFFFFFE0, v15  }
0x2d: {  	v62 =	vld [tilespmem:$0x70];
	v61 =	vshll.u32 v7, $0x2;
	[tilespmem:$0x100] =	vst v3;
	v3 =	vadd.s32 v6, v5;
	v63 =	vor.u32 v17, v15  }
0x2e: {  	[tilespmem:$0x110] =	vst v3;
	v3 =	vadd.s32 v8, v61;
	v15 =	vshll.u32 v9, $0x2;
	v17 =	vld [tilespmem:$0xF0];
	v18 =	vperm.xlane v63, v0  }
0x2f: {  	v19 =	vshll.u32 v11, $0x2;
	[tilespmem:$0x120] =	vst v3;
	v3 =	vadd.s32 v10, v15  }
0x30: {  	v20 =	vshll.u32 v13, $0x2;
	[tilespmem:$0x130] =	vst v3;
	v3 =	vadd.s32 v12, v19;
	v9 =	vadd.s32 v1, v18  }
0x31: {  	v21 =	vshll.u32 v14, $0x2;
	[tilespmem:$0x140] =	vst v3;
	v3 =	vadd.s32 v60, v20  }
0x32: {  	v22 =	vshll.u32 v62, $0x2;
	v23 =	vperm.xlane v63, v2;
	[tilespmem:$0x150] =	vst v3;
	v3 =	vadd.s32 v16, v21  }
0x33: {  	[tilespmem:$0x160] =	vst v3;
	v3 =	vadd.s32 v17, v22  }
0x34: {  	[tilespmem:$0x170] =	vst v3;
	v3 =	vadd.s32 v1, v23  }
0x35: {  	[tilespmem:s0], [sflag:$0x1] =	stream.indirect_vreg.gather [hbm4b:s3+s2], $0x80, v9, vm0, $0xb8;
	[tilespmem:$0x10180] =	vst v63  }
0x36: {  	_ = 	snop  }
0x37: {  	[tilespmem:s18], [sflag:$0x1] =	stream.indirect_vreg.gather [hbm4b:s4+s2], $0x80, v9, vm0, $0xb8;
	[tilespmem:$0x10180] =	vst v63  }
0x38: {  	_ = 	snop  }
0x39: {  	[tilespmem:s19], [sflag:$0x1] =	stream.indirect_vreg.gather [hbm4b:s3+s2], $0x80, v3, vm0, $0xb8;
	[tilespmem:$0x10180] =	vst v63  }
0x3a: {  	_ = 	snop  }
0x3b: {  	[tilespmem:s20], [sflag:$0x1] =	stream.indirect_vreg.gather [hbm4b:s4+s2], $0x80, v3, vm0, $0xb8;
	[tilespmem:$0x10180] =	vst v63  }
0x3c: {  	v3 =	vld [tilespmem:$0x110];
	_ =	sdelay $0x4  }
0x3d: {  	v24 =	vshll.u32 v3, $0x2  }
0x3e: {  	v3 =	vand.u32 $0x7, v3;
	v4 =	vand.u32 $0xFFFFFFE0, v24  }
0x3f: {  	v3 =	vor.u32 v3, v4  }
0x40: {  	v4 =	vperm.xlane v3, v0;
	_ =	sdelay $0x1  }
0x41: {  	v4 =	vadd.s32 v1, v4;
	_ =	sdelay $0x1  }
0x42: {  	v3 =	vperm.xlane v3, v2;
	_ =	sdelay $0x1  }
0x43: {  	v3 =	vadd.s32 v1, v3  }
0x44: {  	[tilespmem:s21], [sflag:$0x1] =	stream.indirect_vreg.gather [hbm4b:s3+s2], $0x80, v4, vm0, $0xb8;
	[tilespmem:$0x10180] =	vst v63  }
0x45: {  	_ = 	snop  }
0x46: {  	[tilespmem:s22], [sflag:$0x1] =	stream.indirect_vreg.gather [hbm4b:s4+s2], $0x80, v4, vm0, $0xb8;
	[tilespmem:$0x10180] =	vst v63  }
0x47: {  	_ = 	snop  }
0x48: {  	[tilespmem:s23], [sflag:$0x1] =	stream.indirect_vreg.gather [hbm4b:s3+s2], $0x80, v3, vm0, $0xb8;
	[tilespmem:$0x10180] =	vst v63  }
0x49: {  	_ = 	snop  }
0x4a: {  	[tilespmem:s24], [sflag:$0x1] =	stream.indirect_vreg.gather [hbm4b:s4+s2], $0x80, v3, vm0, $0xb8;
	[tilespmem:$0x10180] =	vst v63  }
0x4b: {  	v3 =	vld [tilespmem:$0x120];
	_ =	sdelay $0x4  }
0x4c: {  	v25 =	vshll.u32 v3, $0x2  }
0x4d: {  	v3 =	vand.u32 $0x7, v3;
	v4 =	vand.u32 $0xFFFFFFE0, v25  }
0x4e: {  	v3 =	vor.u32 v3, v4  }
0x4f: {  	v4 =	vperm.xlane v3, v0;
	_ =	sdelay $0x1  }
0x50: {  	v4 =	vadd.s32 v1, v4;
	_ =	sdelay $0x1  }
0x51: {  	v3 =	vperm.xlane v3, v2;
	_ =	sdelay $0x1  }
0x52: {  	v3 =	vadd.s32 v1, v3  }
0x53: {  	[tilespmem:s25], [sflag:$0x1] =	stream.indirect_vreg.gather [hbm4b:s3+s2], $0x80, v4, vm0, $0xb8;
	[tilespmem:$0x10180] =	vst v63  }
0x54: {  	_ = 	snop  }
0x55: {  	[tilespmem:s26], [sflag:$0x1] =	stream.indirect_vreg.gather [hbm4b:s4+s2], $0x80, v4, vm0, $0xb8;
	[tilespmem:$0x10180] =	vst v63  }
0x56: {  	_ = 	snop  }
0x57: {  	[tilespmem:s28], [sflag:$0x1] =	stream.indirect_vreg.gather [hbm4b:s3+s2], $0x80, v3, vm0, $0xb8;
	[tilespmem:$0x10180] =	vst v63  }
0x58: {  	_ = 	snop  }
0x59: {  	[tilespmem:s29], [sflag:$0x1] =	stream.indirect_vreg.gather [hbm4b:s4+s2], $0x80, v3, vm0, $0xb8;
	[tilespmem:$0x10180] =	vst v63  }
0x5a: {  	v3 =	vld [tilespmem:$0x130];
	_ =	sdelay $0x4  }
0x5b: {  	v26 =	vshll.u32 v3, $0x2  }
0x5c: {  	v3 =	vand.u32 $0x7, v3;
	v4 =	vand.u32 $0xFFFFFFE0, v26  }
0x5d: {  	v3 =	vor.u32 v3, v4  }
0x5e: {  	v4 =	vperm.xlane v3, v0;
	_ =	sdelay $0x1  }
0x5f: {  	v4 =	vadd.s32 v1, v4;
	_ =	sdelay $0x1  }
0x60: {  	v3 =	vperm.xlane v3, v2;
	_ =	sdelay $0x1  }
0x61: {  	v3 =	vadd.s32 v1, v3  }
0x62: {  	[tilespmem:s30], [sflag:$0x1] =	stream.indirect_vreg.gather [hbm4b:s3+s2], $0x80, v4, vm0, $0xb8;
	[tilespmem:$0x10180] =	vst v63  }
0x63: {  	_ = 	snop  }
0x64: {  	[tilespmem:s31], [sflag:$0x1] =	stream.indirect_vreg.gather [hbm4b:s4+s2], $0x80, v4, vm0, $0xb8;
	[tilespmem:$0x10180] =	vst v63  }
0x65: {  	s1 =	simm.s32 $0x7180  }
0x66: {  	[tilespmem:s1], [sflag:$0x1] =	stream.indirect_vreg.gather [hbm4b:s3+s2], $0x80, v3, vm0, $0xb8;
	[tilespmem:$0x10180] =	vst v63  }
0x67: {  	s7 =	simm.s32 $0x7980  }
0x68: {  	[tilespmem:s7], [sflag:$0x1] =	stream.indirect_vreg.gather [hbm4b:s4+s2], $0x80, v3, vm0, $0xb8;
	[tilespmem:$0x10180] =	vst v63  }
0x69: {  	v3 =	vld [tilespmem:$0x140];
	_ =	sdelay $0x4  }
0x6a: {  	v27 =	vshll.u32 v3, $0x2  }
0x6b: {  	v3 =	vand.u32 $0x7, v3;
	v4 =	vand.u32 $0xFFFFFFE0, v27  }
0x6c: {  	v3 =	vor.u32 v3, v4  }
0x6d: {  	v4 =	vperm.xlane v3, v0;
	_ =	sdelay $0x1  }
0x6e: {  	v4 =	vadd.s32 v1, v4;
	_ =	sdelay $0x1  }
0x6f: {  	v3 =	vperm.xlane v3, v2;
	_ =	sdelay $0x1  }
0x70: {  	s7 =	simm.s32 $0x8180;
	v3 =	vadd.s32 v1, v3  }
0x71: {  	[tilespmem:s7], [sflag:$0x1] =	stream.indirect_vreg.gather [hbm4b:s3+s2], $0x80, v4, vm0, $0xb8;
	[tilespmem:$0x10180] =	vst v63  }
0x72: {  	_ = 	snop  }
0x73: {  	[tilespmem:s9], [sflag:$0x1] =	stream.indirect_vreg.gather [hbm4b:s4+s2], $0x80, v4, vm0, $0xb8;
	[tilespmem:$0x10180] =	vst v63  }
0x74: {  	_ = 	snop  }
0x75: {  	[tilespmem:s10], [sflag:$0x1] =	stream.indirect_vreg.gather [hbm4b:s3+s2], $0x80, v3, vm0, $0xb8;
	[tilespmem:$0x10180] =	vst v63  }
0x76: {  	_ = 	snop  }
0x77: {  	[tilespmem:s11], [sflag:$0x1] =	stream.indirect_vreg.gather [hbm4b:s4+s2], $0x80, v3, vm0, $0xb8;
	[tilespmem:$0x10180] =	vst v63  }
0x78: {  	v3 =	vld [tilespmem:$0x150];
	_ =	sdelay $0x4  }
0x79: {  	v28 =	vshll.u32 v3, $0x2  }
0x7a: {  	v3 =	vand.u32 $0x7, v3;
	v4 =	vand.u32 $0xFFFFFFE0, v28  }
0x7b: {  	v3 =	vor.u32 v3, v4  }
0x7c: {  	v4 =	vperm.xlane v3, v0;
	_ =	sdelay $0x1  }
0x7d: {  	v4 =	vadd.s32 v1, v4;
	_ =	sdelay $0x1  }
0x7e: {  	v3 =	vperm.xlane v3, v2;
	_ =	sdelay $0x1  }
0x7f: {  	v3 =	vadd.s32 v1, v3  }
0x80: {  	[tilespmem:s12], [sflag:$0x1] =	stream.indirect_vreg.gather [hbm4b:s3+s2], $0x80, v4, vm0, $0xb8;
	[tilespmem:$0x10180] =	vst v63  }
0x81: {  	_ = 	snop  }
0x82: {  	[tilespmem:s13], [sflag:$0x1] =	stream.indirect_vreg.gather [hbm4b:s4+s2], $0x80, v4, vm0, $0xb8;
	[tilespmem:$0x10180] =	vst v63  }
0x83: {  	_ = 	snop  }
0x84: {  	[tilespmem:s14], [sflag:$0x1] =	stream.indirect_vreg.gather [hbm4b:s3+s2], $0x80, v3, vm0, $0xb8;
	[tilespmem:$0x10180] =	vst v63  }
0x85: {  	_ = 	snop  }
0x86: {  	[tilespmem:s8], [sflag:$0x1] =	stream.indirect_vreg.gather [hbm4b:s4+s2], $0x80, v3, vm0, $0xb8;
	[tilespmem:$0x10180] =	vst v63  }
0x87: {  	v3 =	vld [tilespmem:$0x160];
	_ =	sdelay $0x4  }
0x88: {  	v29 =	vshll.u32 v3, $0x2  }
0x89: {  	v3 =	vand.u32 $0x7, v3;
	v4 =	vand.u32 $0xFFFFFFE0, v29  }
0x8a: {  	v3 =	vor.u32 v3, v4  }
0x8b: {  	v4 =	vperm.xlane v3, v0;
	_ =	sdelay $0x1  }
0x8c: {  	v4 =	vadd.s32 v1, v4;
	_ =	sdelay $0x1  }
0x8d: {  	v3 =	vperm.xlane v3, v2;
	_ =	sdelay $0x1  }
0x8e: {  	s16 =	simm.s32 $0xC180;
	v3 =	vadd.s32 v1, v3  }
0x8f: {  	[tilespmem:s16], [sflag:$0x1] =	stream.indirect_vreg.gather [hbm4b:s3+s2], $0x80, v4, vm0, $0xb8;
	[tilespmem:$0x10180] =	vst v63  }
0x90: {  	s16 =	simm.s32 $0xC980  }
0x91: {  	[tilespmem:s16], [sflag:$0x1] =	stream.indirect_vreg.gather [hbm4b:s4+s2], $0x80, v4, vm0, $0xb8;
	[tilespmem:$0x10180] =	vst v63  }
0x92: {  	s16 =	simm.s32 $0xD180  }
0x93: {  	[tilespmem:s16], [sflag:$0x1] =	stream.indirect_vreg.gather [hbm4b:s3+s2], $0x80, v3, vm0, $0xb8;
	[tilespmem:$0x10180] =	vst v63  }
0x94: {  	s16 =	simm.s32 $0xD980  }
0x95: {  	[tilespmem:s16], [sflag:$0x1] =	stream.indirect_vreg.gather [hbm4b:s4+s2], $0x80, v3, vm0, $0xb8;
	[tilespmem:$0x10180] =	vst v63  }
0x96: {  	v3 =	vld [tilespmem:$0x170];
	_ =	sdelay $0x4  }
0x97: {  	v30 =	vshll.u32 v3, $0x2  }
0x98: {  	v3 =	vand.u32 $0x7, v3;
	v4 =	vand.u32 $0xFFFFFFE0, v30  }
0x99: {  	v3 =	vor.u32 v3, v4  }
0x9a: {  	v4 =	vperm.xlane v3, v0;
	_ =	sdelay $0x1  }
0x9b: {  	v4 =	vadd.s32 v1, v4;
	_ =	sdelay $0x1  }
0x9c: {  	v3 =	vperm.xlane v3, v2;
	_ =	sdelay $0x1  }
0x9d: {  	s16 =	simm.s32 $0xE180;
	v3 =	vadd.s32 v1, v3  }
0x9e: {  	[tilespmem:s16], [sflag:$0x1] =	stream.indirect_vreg.gather [hbm4b:s3+s2], $0x80, v4, vm0, $0xb8;
	[tilespmem:$0x10180] =	vst v63  }
0x9f: {  	s16 =	simm.s32 $0xE980  }
0xa0: {  	[tilespmem:s16], [sflag:$0x1] =	stream.indirect_vreg.gather [hbm4b:s4+s2], $0x80, v4, vm0, $0xb8;
	[tilespmem:$0x10180] =	vst v63  }
0xa1: {  	s16 =	simm.s32 $0xF180  }
0xa2: {  	[tilespmem:s16], [sflag:$0x1] =	stream.indirect_vreg.gather [hbm4b:s3+s2], $0x80, v3, vm0, $0xb8;
	[tilespmem:$0x10180] =	vst v63  }
0xa3: {  	s16 =	simm.s32 $0xF980  }
0xa4: {  	[tilespmem:s16], [sflag:$0x1] =	stream.indirect_vreg.gather [hbm4b:s4+s2], $0x80, v3, vm0, $0xb8;
	[tilespmem:$0x10180] =	vst v63  }
0xa5: {  	_ =	swait.ge [sflag:s15], $0x10000  }
0xa6: {  	[sflag:s15] =	ssyncset.done $0x0  }
0xa7: {  	s16 =	rddreg [dreg:$0x5];
	[sflag:s15] =	ssyncadd.s32 $0xFFFF0000  }
0xa8: {  	[hbm4b:s16+s2] =	stream.linear.scatter [tilespmem:s0], [sflag:$0x2], $0x10000, $0x38;
	[tilespmem:$0x10180] =	vst v63  }
0xa9: {  	_ =	swait.ge [sflag:s6], $0x10000  }
0xaa: {  	[sflag:s6] =	ssyncset.done $0x0  }
0xab: {  	s16 =	rddreg [dreg:$0x6];
	[sflag:s6] =	ssyncadd.s32 $0xFFFF0000  }
0xac: {  	[tilespmem:s2], [sflag:$0x2] =	stream.linear.gather [hbm4b:s16+s2], $0x80, $0x38;
	[tilespmem:$0x10180] =	vst v63  }
0xad: {  	_ =	swait.ge [sflag:s6], $0x80  }
0xae: {  	[sflag:s6] =	ssyncset.done $0x0  }
0xaf: {  	s16 =	rddreg [dreg:$0x7];
	[sflag:s6] =	ssyncadd.s32 $0xFFFFFF80  }
0xb0: {  	[tilespmem:s17], [sflag:$0x2] =	stream.linear.gather [hbm4b:s16+s2], $0x80, $0x38;
	[tilespmem:$0x10180] =	vst v63  }
0xb1: {  	_ =	swait.ge [sflag:s6], $0x80  }
0xb2: {  	[sflag:s6] =	ssyncset.done $0x0  }
0xb3: {  	[sflag:s6] =	ssyncadd.s32 $0xFFFFFF80  }
0xb4: {  	v3 =	vld [tilespmem:$0x0]  }
0xb5: {  	v31 =	vld [tilespmem:$0x80]  }
0xb6: {  	v32 =	vld [tilespmem:$0x10]  }
0xb7: {  	v33 =	vld [tilespmem:$0x90]  }
0xb8: {  	v34 =	vld [tilespmem:$0x20]  }
0xb9: {  	v35 =	vld [tilespmem:$0xA0]  }
0xba: {  	v36 =	vld [tilespmem:$0x30]  }
0xbb: {  	v37 =	vld [tilespmem:$0xB0]  }
0xbc: {  	v38 =	vld [tilespmem:$0x40]  }
0xbd: {  	v39 =	vld [tilespmem:$0xC0]  }
0xbe: {  	v40 =	vld [tilespmem:$0x50];
	v3 =	vshll.u32 v3, $0x2  }
0xbf: {  	v41 =	vld [tilespmem:$0xD0];
	v3 =	vadd.s32 v31, v3  }
0xc0: {  	v42 =	vld [tilespmem:$0x60];
	v43 =	vshll.u32 v3, $0x2  }
0xc1: {  	v44 =	vld [tilespmem:$0xE0];
	v5 =	vshll.u32 v32, $0x2;
	v45 =	vand.u32 $0x7, v3;
	v15 =	vand.u32 $0xFFFFFFE0, v43  }
0xc2: {  	v48 =	vld [tilespmem:$0x70];
	v46 =	vshll.u32 v34, $0x2;
	[tilespmem:$0x100] =	vst v3;
	v3 =	vadd.s32 v33, v5;
	v47 =	vor.u32 v45, v15  }
0xc3: {  	v50 =	vld [tilespmem:$0xF0];
	v49 =	vshll.u32 v36, $0x2;
	[tilespmem:$0x110] =	vst v3;
	v3 =	vadd.s32 v35, v46;
	v51 =	vperm.xlane v47, v0  }
0xc4: {  	v52 =	vshll.u32 v38, $0x2;
	[tilespmem:$0x120] =	vst v3;
	v3 =	vadd.s32 v37, v49  }
0xc5: {  	v53 =	vshll.u32 v40, $0x2;
	[tilespmem:$0x130] =	vst v3;
	v3 =	vadd.s32 v39, v52;
	v9 =	vadd.s32 v1, v51  }
0xc6: {  	v54 =	vshll.u32 v42, $0x2;
	[tilespmem:$0x140] =	vst v3;
	v3 =	vadd.s32 v41, v53  }
0xc7: {  	v55 =	vshll.u32 v48, $0x2;
	v56 =	vperm.xlane v47, v2;
	[tilespmem:$0x150] =	vst v3;
	v3 =	vadd.s32 v44, v54  }
0xc8: {  	[tilespmem:$0x160] =	vst v3;
	v3 =	vadd.s32 v50, v55  }
0xc9: {  	[tilespmem:$0x170] =	vst v3;
	v3 =	vadd.s32 v1, v56  }
0xca: {  	[tilespmem:s0], [sflag:$0x1] =	stream.indirect_vreg.gather [hbm4b:s3+s2], $0x80, v9, vm0, $0xb8;
	[tilespmem:$0x10180] =	vst v63  }
0xcb: {  	_ = 	snop  }
0xcc: {  	[tilespmem:s18], [sflag:$0x1] =	stream.indirect_vreg.gather [hbm4b:s4+s2], $0x80, v9, vm0, $0xb8;
	[tilespmem:$0x10180] =	vst v63  }
0xcd: {  	_ = 	snop  }
0xce: {  	[tilespmem:s19], [sflag:$0x1] =	stream.indirect_vreg.gather [hbm4b:s3+s2], $0x80, v3, vm0, $0xb8;
	[tilespmem:$0x10180] =	vst v63  }
0xcf: {  	_ = 	snop  }
0xd0: {  	[tilespmem:s20], [sflag:$0x1] =	stream.indirect_vreg.gather [hbm4b:s4+s2], $0x80, v3, vm0, $0xb8;
	[tilespmem:$0x10180] =	vst v63  }
0xd1: {  	v3 =	vld [tilespmem:$0x110];
	_ =	sdelay $0x4  }
0xd2: {  	v57 =	vshll.u32 v3, $0x2  }
0xd3: {  	v3 =	vand.u32 $0x7, v3;
	v4 =	vand.u32 $0xFFFFFFE0, v57  }
0xd4: {  	v3 =	vor.u32 v3, v4  }
0xd5: {  	v4 =	vperm.xlane v3, v0;
	_ =	sdelay $0x1  }
0xd6: {  	v4 =	vadd.s32 v1, v4;
	_ =	sdelay $0x1  }
0xd7: {  	v3 =	vperm.xlane v3, v2;
	_ =	sdelay $0x1  }
0xd8: {  	v3 =	vadd.s32 v1, v3  }
0xd9: {  	[tilespmem:s21], [sflag:$0x1] =	stream.indirect_vreg.gather [hbm4b:s3+s2], $0x80, v4, vm0, $0xb8;
	[tilespmem:$0x10180] =	vst v63  }
0xda: {  	_ = 	snop  }
0xdb: {  	[tilespmem:s22], [sflag:$0x1] =	stream.indirect_vreg.gather [hbm4b:s4+s2], $0x80, v4, vm0, $0xb8;
	[tilespmem:$0x10180] =	vst v63  }
0xdc: {  	_ = 	snop  }
0xdd: {  	[tilespmem:s23], [sflag:$0x1] =	stream.indirect_vreg.gather [hbm4b:s3+s2], $0x80, v3, vm0, $0xb8;
	[tilespmem:$0x10180] =	vst v63  }
0xde: {  	_ = 	snop  }
0xdf: {  	[tilespmem:s24], [sflag:$0x1] =	stream.indirect_vreg.gather [hbm4b:s4+s2], $0x80, v3, vm0, $0xb8;
	[tilespmem:$0x10180] =	vst v63  }
0xe0: {  	v3 =	vld [tilespmem:$0x120];
	_ =	sdelay $0x4  }
0xe1: {  	v58 =	vshll.u32 v3, $0x2  }
0xe2: {  	v3 =	vand.u32 $0x7, v3;
	v4 =	vand.u32 $0xFFFFFFE0, v58  }
0xe3: {  	v3 =	vor.u32 v3, v4  }
0xe4: {  	v4 =	vperm.xlane v3, v0;
	_ =	sdelay $0x1  }
0xe5: {  	v4 =	vadd.s32 v1, v4;
	_ =	sdelay $0x1  }
0xe6: {  	v3 =	vperm.xlane v3, v2;
	_ =	sdelay $0x1  }
0xe7: {  	v3 =	vadd.s32 v1, v3  }
0xe8: {  	[tilespmem:s25], [sflag:$0x1] =	stream.indirect_vreg.gather [hbm4b:s3+s2], $0x80, v4, vm0, $0xb8;
	[tilespmem:$0x10180] =	vst v63  }
0xe9: {  	_ = 	snop  }
0xea: {  	[tilespmem:s26], [sflag:$0x1] =	stream.indirect_vreg.gather [hbm4b:s4+s2], $0x80, v4, vm0, $0xb8;
	[tilespmem:$0x10180] =	vst v63  }
0xeb: {  	_ = 	snop  }
0xec: {  	[tilespmem:s28], [sflag:$0x1] =	stream.indirect_vreg.gather [hbm4b:s3+s2], $0x80, v3, vm0, $0xb8;
	[tilespmem:$0x10180] =	vst v63  }
0xed: {  	_ = 	snop  }
0xee: {  	[tilespmem:s29], [sflag:$0x1] =	stream.indirect_vreg.gather [hbm4b:s4+s2], $0x80, v3, vm0, $0xb8;
	[tilespmem:$0x10180] =	vst v63  }
0xef: {  	v3 =	vld [tilespmem:$0x130];
	_ =	sdelay $0x4  }
0xf0: {  	v59 =	vshll.u32 v3, $0x2  }
0xf1: {  	v3 =	vand.u32 $0x7, v3;
	v4 =	vand.u32 $0xFFFFFFE0, v59  }
0xf2: {  	v3 =	vor.u32 v3, v4  }
0xf3: {  	v4 =	vperm.xlane v3, v0;
	_ =	sdelay $0x1  }
0xf4: {  	v4 =	vadd.s32 v1, v4;
	_ =	sdelay $0x1  }
0xf5: {  	v3 =	vperm.xlane v3, v2;
	_ =	sdelay $0x1  }
0xf6: {  	v3 =	vadd.s32 v1, v3  }
0xf7: {  	[tilespmem:s30], [sflag:$0x1] =	stream.indirect_vreg.gather [hbm4b:s3+s2], $0x80, v4, vm0, $0xb8;
	[tilespmem:$0x10180] =	vst v63  }
0xf8: {  	_ = 	snop  }
0xf9: {  	[tilespmem:s31], [sflag:$0x1] =	stream.indirect_vreg.gather [hbm4b:s4+s2], $0x80, v4, vm0, $0xb8;
	[tilespmem:$0x10180] =	vst v63  }
0xfa: {  	_ = 	snop  }
0xfb: {  	[tilespmem:s1], [sflag:$0x1] =	stream.indirect_vreg.gather [hbm4b:s3+s2], $0x80, v3, vm0, $0xb8;
	[tilespmem:$0x10180] =	vst v63  }
0xfc: {  	s16 =	simm.s32 $0x7980  }
0xfd: {  	[tilespmem:s16], [sflag:$0x1] =	stream.indirect_vreg.gather [hbm4b:s4+s2], $0x80, v3, vm0, $0xb8;
	[tilespmem:$0x10180] =	vst v63  }
0xfe: {  	v3 =	vld [tilespmem:$0x140];
	_ =	sdelay $0x4  }
0xff: {  	v60 =	vshll.u32 v3, $0x2  }
0x100: {  	v3 =	vand.u32 $0x7, v3;
	v4 =	vand.u32 $0xFFFFFFE0, v60  }
0x101: {  	v3 =	vor.u32 v3, v4  }
0x102: {  	v4 =	vperm.xlane v3, v0;
	_ =	sdelay $0x1  }
0x103: {  	v4 =	vadd.s32 v1, v4;
	_ =	sdelay $0x1  }
0x104: {  	v3 =	vperm.xlane v3, v2;
	_ =	sdelay $0x1  }
0x105: {  	v3 =	vadd.s32 v1, v3  }
0x106: {  	[tilespmem:s7], [sflag:$0x1] =	stream.indirect_vreg.gather [hbm4b:s3+s2], $0x80, v4, vm0, $0xb8;
	[tilespmem:$0x10180] =	vst v63  }
0x107: {  	_ = 	snop  }
0x108: {  	[tilespmem:s9], [sflag:$0x1] =	stream.indirect_vreg.gather [hbm4b:s4+s2], $0x80, v4, vm0, $0xb8;
	[tilespmem:$0x10180] =	vst v63  }
0x109: {  	_ = 	snop  }
0x10a: {  	[tilespmem:s10], [sflag:$0x1] =	stream.indirect_vreg.gather [hbm4b:s3+s2], $0x80, v3, vm0, $0xb8;
	[tilespmem:$0x10180] =	vst v63  }
0x10b: {  	_ = 	snop  }
0x10c: {  	[tilespmem:s11], [sflag:$0x1] =	stream.indirect_vreg.gather [hbm4b:s4+s2], $0x80, v3, vm0, $0xb8;
	[tilespmem:$0x10180] =	vst v63  }
0x10d: {  	v3 =	vld [tilespmem:$0x150];
	_ =	sdelay $0x4  }
0x10e: {  	v61 =	vshll.u32 v3, $0x2  }
0x10f: {  	v3 =	vand.u32 $0x7, v3;
	v4 =	vand.u32 $0xFFFFFFE0, v61  }
0x110: {  	v3 =	vor.u32 v3, v4  }
0x111: {  	v4 =	vperm.xlane v3, v0;
	_ =	sdelay $0x1  }
0x112: {  	v4 =	vadd.s32 v1, v4;
	_ =	sdelay $0x1  }
0x113: {  	v3 =	vperm.xlane v3, v2;
	_ =	sdelay $0x1  }
0x114: {  	v3 =	vadd.s32 v1, v3  }
0x115: {  	[tilespmem:s12], [sflag:$0x1] =	stream.indirect_vreg.gather [hbm4b:s3+s2], $0x80, v4, vm0, $0xb8;
	[tilespmem:$0x10180] =	vst v63  }
0x116: {  	_ = 	snop  }
0x117: {  	[tilespmem:s13], [sflag:$0x1] =	stream.indirect_vreg.gather [hbm4b:s4+s2], $0x80, v4, vm0, $0xb8;
	[tilespmem:$0x10180] =	vst v63  }
0x118: {  	_ = 	snop  }
0x119: {  	[tilespmem:s14], [sflag:$0x1] =	stream.indirect_vreg.gather [hbm4b:s3+s2], $0x80, v3, vm0, $0xb8;
	[tilespmem:$0x10180] =	vst v63  }
0x11a: {  	_ = 	snop  }
0x11b: {  	[tilespmem:s8], [sflag:$0x1] =	stream.indirect_vreg.gather [hbm4b:s4+s2], $0x80, v3, vm0, $0xb8;
	[tilespmem:$0x10180] =	vst v63  }
0x11c: {  	v3 =	vld [tilespmem:$0x160];
	_ =	sdelay $0x4  }
0x11d: {  	v62 =	vshll.u32 v3, $0x2  }
0x11e: {  	v3 =	vand.u32 $0x7, v3;
	v4 =	vand.u32 $0xFFFFFFE0, v62  }
0x11f: {  	v3 =	vor.u32 v3, v4  }
0x120: {  	v4 =	vperm.xlane v3, v0;
	_ =	sdelay $0x1  }
0x121: {  	v4 =	vadd.s32 v1, v4;
	_ =	sdelay $0x1  }
0x122: {  	v3 =	vperm.xlane v3, v2;
	_ =	sdelay $0x1  }
0x123: {  	s7 =	simm.s32 $0xC180;
	v3 =	vadd.s32 v1, v3  }
0x124: {  	[tilespmem:s7], [sflag:$0x1] =	stream.indirect_vreg.gather [hbm4b:s3+s2], $0x80, v4, vm0, $0xb8;
	[tilespmem:$0x10180] =	vst v63  }
0x125: {  	s16 =	simm.s32 $0xC980  }
0x126: {  	[tilespmem:s16], [sflag:$0x1] =	stream.indirect_vreg.gather [hbm4b:s4+s2], $0x80, v4, vm0, $0xb8;
	[tilespmem:$0x10180] =	vst v63  }
0x127: {  	s7 =	simm.s32 $0xD180  }
0x128: {  	[tilespmem:s7], [sflag:$0x1] =	stream.indirect_vreg.gather [hbm4b:s3+s2], $0x80, v3, vm0, $0xb8;
	[tilespmem:$0x10180] =	vst v63  }
0x129: {  	s16 =	simm.s32 $0xD980  }
0x12a: {  	[tilespmem:s16], [sflag:$0x1] =	stream.indirect_vreg.gather [hbm4b:s4+s2], $0x80, v3, vm0, $0xb8;
	[tilespmem:$0x10180] =	vst v63  }
0x12b: {  	v3 =	vld [tilespmem:$0x170];
	_ =	sdelay $0x4  }
0x12c: {  	v63 =	vshll.u32 v3, $0x2  }
0x12d: {  	v3 =	vand.u32 $0x7, v3;
	v4 =	vand.u32 $0xFFFFFFE0, v63  }
0x12e: {  	v3 =	vor.u32 v3, v4  }
0x12f: {  	v4 =	vperm.xlane v3, v0;
	_ =	sdelay $0x1  }
0x130: {  	v4 =	vadd.s32 v1, v4;
	_ =	sdelay $0x1  }
0x131: {  	v3 =	vperm.xlane v3, v2;
	_ =	sdelay $0x1  }
0x132: {  	s7 =	simm.s32 $0xE180;
	v3 =	vadd.s32 v1, v3  }
0x133: {  	[tilespmem:s7], [sflag:$0x1] =	stream.indirect_vreg.gather [hbm4b:s3+s2], $0x80, v4, vm0, $0xb8;
	[tilespmem:$0x10180] =	vst v63  }
0x134: {  	s16 =	simm.s32 $0xE980  }
0x135: {  	[tilespmem:s16], [sflag:$0x1] =	stream.indirect_vreg.gather [hbm4b:s4+s2], $0x80, v4, vm0, $0xb8;
	[tilespmem:$0x10180] =	vst v63  }
0x136: {  	s7 =	simm.s32 $0xF180  }
0x137: {  	[tilespmem:s7], [sflag:$0x1] =	stream.indirect_vreg.gather [hbm4b:s3+s2], $0x80, v3, vm0, $0xb8;
	[tilespmem:$0x10180] =	vst v63  }
0x138: {  	s16 =	simm.s32 $0xF980  }
0x139: {  	[tilespmem:s16], [sflag:$0x1] =	stream.indirect_vreg.gather [hbm4b:s4+s2], $0x80, v3, vm0, $0xb8;
	[tilespmem:$0x10180] =	vst v63  }
0x13a: {  	_ =	swait.ge [sflag:s15], $0x10000  }
0x13b: {  	p0 =	sne.s32 s5, $0x1;
	[sflag:s15] =	ssyncset.done $0x0  }
.Ltmp0:
0x13c: {  	s7 =	rddreg [dreg:$0x8];
	[sflag:s15] =	ssyncadd.s32 $0xFFFF0000;
	(pc) =	sbr.rel @p0 .LBB2_1-.Ltmp0, $4  }
0x13d: {  	[hbm4b:s7+s2] =	stream.linear.scatter [tilespmem:s0], [sflag:$0x2], $0x10000, $0x38;
	[tilespmem:$0x10180] =	vst v63  }
0x13e: {  	_ =	swait.ge [sflag:s6], $0x10000  }
0x13f: {  	[sflag:s6] =	ssyncset.done $0x0  }
0x140: {  	s5 =	sadd.s32 $0xFFFFFFFF, s5;
	[sflag:s6] =	ssyncadd.s32 $0xFFFF0000  }
0x141: {  	_ =	sfence.sel $0x180000  }
0x142: {  	[bflag:$0x0] =	sbarrier.arrive $0xFFFF  }
0x143: {  	_ =	strace $0x90000047  }
0x144: {  	s0 =	stileid.u32;
	[bflag:$0x2] =	sbarrier.arrive $0xFFFF  }
0x145: {  	p0 =	sne.s32 s0, $0x0;
	s0 =	rddreg [dreg:$0x2]  }
0x146: {  	s0 =	sadd.s32 @!p0 $0x100000, s0  }
0x147: {  	[sflag:s0] =	ssyncadd.tile.s32 @!p0 $0x1;
	_ =	shalt  }
.Lfunc_end2:
_tile_overlayer_lowered:
.L_overlay_start_2:
0x148: {  	(tag) =	ssettag $0x2  }
0x149: {  	s0 =	rddreg [dreg:$0x0];
	s2 =	stileid.u32  }
0x14a: {  	s1 =	rddreg [dreg:$0x1];
	p0 =	sne.s32 s2, $0x0  }
0x14b: {  	s3 =	rddreg [dreg:$0x2];
	[bflag:$0x3] =	sbarrier.arrive $0xFFFF;
	s2 =	simm.s32 @!p0 $0x1C02  }
0x14c: {  	[timem:s3], [sflag:s2] =	dma.local @!p0 [hbm:s0], s1  }
0x14d: {  	s0 =	simm.s32 @!p0 $0x2  }
0x14e: {  	_ =	swait.ge @!p0 [sflag:s0], s1  }
0x14f: {  	s1 =	ssub.s32 @!p0 $0x0, s1;
	[sflag:s0] =	ssyncset.done @!p0 $0x0  }
0x150: {  	[sflag:s0] =	ssyncadd.s32 @!p0 s1  }
0x151: {  	[bflag:$0x3] =	sbarrier.arrive $0xFFFF  }
0x152: {  	_ =	shalt  }

</sc_bundles>
